<compile_context>
chip_gen: v7x
topology: tpu7x:2x2x1
jax: 0.10.2.dev20260603
libtpu: 0.0.44.dev20260713+nightly
codegen_flags: <defaults>
</compile_context>

<pallas_src>
import functools

import jax
import jax.numpy as jnp
from jax import lax
from jax.experimental import pallas as pl
from jax.experimental.pallas import tpu as pltpu
from jax.experimental.pallas import tpu_sc as plsc

_NC = 2
_NS = 16
_NW = _NC * _NS

_NB = 4


@functools.lru_cache(maxsize=None)
def _build_gather(bsz, seqlen, d, dpad):
    seq_per_w = bsz // _NW
    per_w = seq_per_w * seqlen
    c0 = 128
    c1 = seqlen - c0
    ngroup = seq_per_w // _NB
    mesh = plsc.VectorSubcoreMesh(core_axis_name="c", subcore_axis_name="s")

    @functools.partial(
        pl.kernel,
        mesh=mesh,
        out_type=jax.ShapeDtypeStruct((bsz, seqlen, dpad), jnp.float32),
        scratch_types=[
            pltpu.VMEM((per_w,), jnp.int32),
            pltpu.VMEM((_NB, seqlen, dpad), jnp.float32),
            pltpu.SemaphoreType.DMA((_NB,)),
            pltpu.SemaphoreType.DMA((_NB,)),
        ],
        compiler_params=pltpu.CompilerParams(use_tc_tiling_on_sc=True),
    )
    def emb(table_hbm, idx_hbm, out_hbm, idx_v, rows_v, gsem, wsem):
        wid = lax.axis_index("s") * _NC + lax.axis_index("c")
        sbase = wid * seq_per_w
        pltpu.sync_copy(idx_hbm.at[pl.ds(sbase * seqlen, per_w)], idx_v)

        def start_gathers(s, b):
            off = s * seqlen
            pltpu.async_copy(
                table_hbm.at[idx_v.at[pl.ds(off, c0)]],
                rows_v.at[b, pl.ds(0, c0)],
                gsem.at[b],
            )
            pltpu.async_copy(
                table_hbm.at[idx_v.at[pl.ds(off + c0, c1)]],
                rows_v.at[b, pl.ds(c0, c1)],
                gsem.at[b],
            )

        def wait_gathers(b):
            pltpu.make_async_copy(
                table_hbm.at[pl.ds(0, seqlen)], rows_v.at[b], gsem.at[b]
            ).wait()

        def start_write(s, b):
            pltpu.async_copy(
                rows_v.at[b], out_hbm.at[sbase + s], wsem.at[b]
            )

        def wait_write(b):
            pltpu.make_async_copy(
                rows_v.at[b], out_hbm.at[sbase], wsem.at[b]
            ).wait()

        for b in range(_NB):
            start_gathers(b, b)

        def outer(g, carry):
            s0 = g * _NB
            for b in range(_NB):
                wait_gathers(b)
                start_write(s0 + b, b)
            for b in range(_NB):
                wait_write(b)
                start_gathers(s0 + _NB + b, b)
            return carry

        lax.fori_loop(0, ngroup - 1, outer, 0)

        s0 = (ngroup - 1) * _NB
        for b in range(_NB):
            wait_gathers(b)
            start_write(s0 + b, b)
        for b in range(_NB):
            wait_write(b)

    return emb


def kernel(table, seq):
    b, l = seq.shape
    v, d = table.shape
    dpad = 128
    padded = jnp.pad(table, ((0, 0), (0, dpad - d)))
    idx = seq.reshape(-1).astype(jnp.int32)
    out = _build_gather(b, l, d, dpad)(padded, idx)
    return out[:, :, :d]

# --- scband reference (transcript-rebuilt; emitter-appended) ---
"""Pipeline reference for scband-embedding-24584392802694 (READ-ONLY COPY).

The authoritative reference and input builder live on the scoring server;
editing this copy changes nothing except your own understanding.
"""

import jax, jax.numpy as jnp
import numpy as np

VOCAB = 1000000
EMBED_DIM = 64
BATCH = 4096
HIST = 200

def setup_inputs(seed: int = 0) -> dict:
    key = jax.random.key(seed)
    k_tab, k_idx = jax.random.split(key)
    table = jax.random.normal(k_tab, (VOCAB, EMBED_DIM), dtype=jnp.float32)
    seq = jax.random.randint(k_idx, (BATCH, HIST), 0, VOCAB, dtype=jnp.int64)
    return {"table": table, "seq": seq}

def reference(table, seq):
    # nn.Embedding forward with met=None: pure gather from embedding table
    out = jnp.take(table, seq, axis=0)  # [B, L, D]
    return out

if __name__ == "__main__":
    import jax
    _d = setup_inputs()
    print(jax.jit(kernel)(*tuple(_d.values())))

</pallas_src>

<mosaic_0001>
#map = affine_map<(d0, d1) -> (0, 0)>
#map1 = affine_map<(d0, d1) -> (0)>
#map2 = affine_map<(d0, d1) -> (0, 0, 0)>
module attributes {stable_mosaic.version = 14 : i64} {
  func.func @emb(%arg0: i32, %arg1: i32, %arg2: memref<1000000x128xf32, #tpu.memory_space<hbm>>, %arg3: memref<819200xi32, #tpu.memory_space<hbm>>, %arg4: memref<4096x200x128xf32, #tpu.memory_space<hbm>>, %arg5: memref<25600xi32, #tpu.memory_space<vmem>>, %arg6: memref<4x200x128xf32, #tpu.memory_space<vmem>>, %arg7: memref<4x!tpu.dma_semaphore, #tpu.memory_space<semaphore_mem>>, %arg8: memref<4x!tpu.dma_semaphore, #tpu.memory_space<semaphore_mem>>) attributes {dimension_semantics = [#tpu.dimension_semantics<core_parallel>, #tpu.dimension_semantics<subcore_parallel>], iteration_bounds = array<i64: 2, 16>, scalar_prefetch = 0 : i64, scratch_operands = 4 : i64, tpu.core_type = #tpu.core_type<sc_vector_subcore>, window_params = [{transform_indices = #map}, {transform_indices = #map1}, {transform_indices = #map2}]} {
    %mul3A = arith.constant 2 : i32
    %mul3A_0 = arith.muli %arg1, %mul3A : i32
    %add3A = arith.addi %mul3A_0, %arg0 : i32
    %mul3A_1 = arith.constant 128 : i32
    %mul3A_2 = arith.muli %add3A, %mul3A_1 : i32
    %mul3A_3 = arith.constant 200 : i32
    %mul3A_4 = arith.muli %mul3A_2, %mul3A_3 : i32
    "tpu.region"() ({
      %run_scoped3A = tpu.sem_alloc : memref<!tpu.dma_semaphore, #tpu.memory_space<semaphore_mem>>
      %dma_start3A_352 = tpu.memref_slice %arg3[%mul3A_4] : memref<819200xi32, #tpu.memory_space<hbm>> -> memref<25600xi32, #tpu.memory_space<hbm>>
      %dma_start3A_353 = tpu.memref_slice %arg3[%mul3A_4] : memref<819200xi32, #tpu.memory_space<hbm>> -> memref<25600xi32, #tpu.memory_space<hbm>>
      tpu.enqueue_dma source(%dma_start3A_353 : memref<25600xi32, #tpu.memory_space<hbm>>) target(%arg5 : memref<25600xi32, #tpu.memory_space<vmem>>) target_semaphore(%run_scoped3A : memref<!tpu.dma_semaphore, #tpu.memory_space<semaphore_mem>>)
      %dma_wait3A_354 = tpu.memref_slice %arg3[%mul3A_4] : memref<819200xi32, #tpu.memory_space<hbm>> -> memref<25600xi32, #tpu.memory_space<hbm>>
      %dma_wait3A_355 = tpu.memref_slice %arg3[%mul3A_4] : memref<819200xi32, #tpu.memory_space<hbm>> -> memref<25600xi32, #tpu.memory_space<hbm>>
      tpu.wait_dma2 semaphore(%run_scoped3A : memref<!tpu.dma_semaphore, #tpu.memory_space<semaphore_mem>>) src(%dma_wait3A_355 : memref<25600xi32, #tpu.memory_space<hbm>>) dst(%arg5 : memref<25600xi32, #tpu.memory_space<vmem>>)
      tpu.yield
    }) : () -> ()
    %dma_start3A = arith.constant 0 : i32
    %dma_start3A_5 = arith.constant 0 : i32
    %dma_start3A_6 = arith.constant 0 : i32
    %dma_start3A_7 = arith.constant 0 : i32
    %dma_start3A_8 = tpu.memref_slice %arg6[%dma_start3A, %dma_start3A_6, %dma_start3A_7] : memref<4x200x128xf32, #tpu.memory_space<vmem>> -> memref<1x128x128xf32, #tpu.memory_space<vmem>>
    %dma_start3A_9 = tpu.memref_squeeze %dma_start3A_8 : memref<1x128x128xf32, #tpu.memory_space<vmem>> -> memref<128x128xf32, #tpu.memory_space<vmem>>
    %dma_start3A_10 = arith.constant 0 : i32
    %dma_start3A_11 = tpu.memref_slice %arg5[%dma_start3A_10] : memref<25600xi32, #tpu.memory_space<vmem>> -> memref<128xi32, #tpu.memory_space<vmem>>
    %dma_start3A_12 = arith.constant 0 : i32
    %dma_start3A_13 = arith.constant 0 : i32
    %dma_start3A_14 = tpu.memref_slice %arg2[%dma_start3A_12, %dma_start3A_13] : memref<1000000x128xf32, #tpu.memory_space<hbm>> -> memref<1000000x128xf32, #tpu.memory_space<hbm>>
    %dma_start3A_15 = tpu.memref_slice %arg7[%dma_start3A_5] : memref<4x!tpu.dma_semaphore, #tpu.memory_space<semaphore_mem>> -> memref<1x!tpu.dma_semaphore, #tpu.memory_space<semaphore_mem>>
    %dma_start3A_16 = tpu.memref_squeeze %dma_start3A_15 : memref<1x!tpu.dma_semaphore, #tpu.memory_space<semaphore_mem>> -> memref<!tpu.dma_semaphore, #tpu.memory_space<semaphore_mem>>
    tpu.enqueue_indirect_dma source(%dma_start3A_14 : memref<1000000x128xf32, #tpu.memory_space<hbm>>) target(%dma_start3A_9 : memref<128x128xf32, #tpu.memory_space<vmem>>) offsets(%dma_start3A_11 : memref<128xi32, #tpu.memory_space<vmem>>) semaphore(%dma_start3A_16 : memref<!tpu.dma_semaphore, #tpu.memory_space<semaphore_mem>>)
    %dma_start3A_17 = arith.constant 0 : i32
    %dma_start3A_18 = arith.constant 0 : i32
    %dma_start3A_19 = arith.constant 128 : i32
    %dma_start3A_20 = arith.constant 0 : i32
    %dma_start3A_21 = tpu.memref_slice %arg6[%dma_start3A_17, %dma_start3A_19, %dma_start3A_20] : memref<4x200x128xf32, #tpu.memory_space<vmem>> -> memref<1x72x128xf32, #tpu.memory_space<vmem>>
    %dma_start3A_22 = tpu.memref_squeeze %dma_start3A_21 : memref<1x72x128xf32, #tpu.memory_space<vmem>> -> memref<72x128xf32, #tpu.memory_space<vmem>>
    %dma_start3A_23 = arith.constant 128 : i32
    %dma_start3A_24 = tpu.memref_slice %arg5[%dma_start3A_23] : memref<25600xi32, #tpu.memory_space<vmem>> -> memref<72xi32, #tpu.memory_space<vmem>>
    %dma_start3A_25 = arith.constant 0 : i32
    %dma_start3A_26 = arith.constant 0 : i32
    %dma_start3A_27 = tpu.memref_slice %arg2[%dma_start3A_25, %dma_start3A_26] : memref<1000000x128xf32, #tpu.memory_space<hbm>> -> memref<1000000x128xf32, #tpu.memory_space<hbm>>
    %dma_start3A_28 = tpu.memref_slice %arg7[%dma_start3A_18] : memref<4x!tpu.dma_semaphore, #tpu.memory_space<semaphore_mem>> -> memref<1x!tpu.dma_semaphore, #tpu.memory_space<semaphore_mem>>
    %dma_start3A_29 = tpu.memref_squeeze %dma_start3A_28 : memref<1x!tpu.dma_semaphore, #tpu.memory_space<semaphore_mem>> -> memref<!tpu.dma_semaphore, #tpu.memory_space<semaphore_mem>>
    tpu.enqueue_indirect_dma source(%dma_start3A_27 : memref<1000000x128xf32, #tpu.memory_space<hbm>>) target(%dma_start3A_22 : memref<72x128xf32, #tpu.memory_space<vmem>>) offsets(%dma_start3A_24 : memref<72xi32, #tpu.memory_space<vmem>>) semaphore(%dma_start3A_29 : memref<!tpu.dma_semaphore, #tpu.memory_space<semaphore_mem>>)
    %dma_start3A_30 = arith.constant 1 : i32
    %dma_start3A_31 = arith.constant 1 : i32
    %dma_start3A_32 = arith.constant 0 : i32
    %dma_start3A_33 = arith.constant 0 : i32
    %dma_start3A_34 = tpu.memref_slice %arg6[%dma_start3A_30, %dma_start3A_32, %dma_start3A_33] : memref<4x200x128xf32, #tpu.memory_space<vmem>> -> memref<1x128x128xf32, #tpu.memory_space<vmem>>
    %dma_start3A_35 = tpu.memref_squeeze %dma_start3A_34 : memref<1x128x128xf32, #tpu.memory_space<vmem>> -> memref<128x128xf32, #tpu.memory_space<vmem>>
    %dma_start3A_36 = arith.constant 200 : i32
    %dma_start3A_37 = tpu.memref_slice %arg5[%dma_start3A_36] : memref<25600xi32, #tpu.memory_space<vmem>> -> memref<128xi32, #tpu.memory_space<vmem>>
    %dma_start3A_38 = arith.constant 0 : i32
    %dma_start3A_39 = arith.constant 0 : i32
    %dma_start3A_40 = tpu.memref_slice %arg2[%dma_start3A_38, %dma_start3A_39] : memref<1000000x128xf32, #tpu.memory_space<hbm>> -> memref<1000000x128xf32, #tpu.memory_space<hbm>>
    %dma_start3A_41 = tpu.memref_slice %arg7[%dma_start3A_31] : memref<4x!tpu.dma_semaphore, #tpu.memory_space<semaphore_mem>> -> memref<1x!tpu.dma_semaphore, #tpu.memory_space<semaphore_mem>>
    %dma_start3A_42 = tpu.memref_squeeze %dma_start3A_41 : memref<1x!tpu.dma_semaphore, #tpu.memory_space<semaphore_mem>> -> memref<!tpu.dma_semaphore, #tpu.memory_space<semaphore_mem>>
    tpu.enqueue_indirect_dma source(%dma_start3A_40 : memref<1000000x128xf32, #tpu.memory_space<hbm>>) target(%dma_start3A_35 : memref<128x128xf32, #tpu.memory_space<vmem>>) offsets(%dma_start3A_37 : memref<128xi32, #tpu.memory_space<vmem>>) semaphore(%dma_start3A_42 : memref<!tpu.dma_semaphore, #tpu.memory_space<semaphore_mem>>)
    %dma_start3A_43 = arith.constant 1 : i32
    %dma_start3A_44 = arith.constant 1 : i32
    %dma_start3A_45 = arith.constant 128 : i32
    %dma_start3A_46 = arith.constant 0 : i32
    %dma_start3A_47 = tpu.memref_slice %arg6[%dma_start3A_43, %dma_start3A_45, %dma_start3A_46] : memref<4x200x128xf32, #tpu.memory_space<vmem>> -> memref<1x72x128xf32, #tpu.memory_space<vmem>>
    %dma_start3A_48 = tpu.memref_squeeze %dma_start3A_47 : memref<1x72x128xf32, #tpu.memory_space<vmem>> -> memref<72x128xf32, #tpu.memory_space<vmem>>
    %dma_start3A_49 = arith.constant 328 : i32
    %dma_start3A_50 = tpu.memref_slice %arg5[%dma_start3A_49] : memref<25600xi32, #tpu.memory_space<vmem>> -> memref<72xi32, #tpu.memory_space<vmem>>
    %dma_start3A_51 = arith.constant 0 : i32
    %dma_start3A_52 = arith.constant 0 : i32
    %dma_start3A_53 = tpu.memref_slice %arg2[%dma_start3A_51, %dma_start3A_52] : memref<1000000x128xf32, #tpu.memory_space<hbm>> -> memref<1000000x128xf32, #tpu.memory_space<hbm>>
    %dma_start3A_54 = tpu.memref_slice %arg7[%dma_start3A_44] : memref<4x!tpu.dma_semaphore, #tpu.memory_space<semaphore_mem>> -> memref<1x!tpu.dma_semaphore, #tpu.memory_space<semaphore_mem>>
    %dma_start3A_55 = tpu.memref_squeeze %dma_start3A_54 : memref<1x!tpu.dma_semaphore, #tpu.memory_space<semaphore_mem>> -> memref<!tpu.dma_semaphore, #tpu.memory_space<semaphore_mem>>
    tpu.enqueue_indirect_dma source(%dma_start3A_53 : memref<1000000x128xf32, #tpu.memory_space<hbm>>) target(%dma_start3A_48 : memref<72x128xf32, #tpu.memory_space<vmem>>) offsets(%dma_start3A_50 : memref<72xi32, #tpu.memory_space<vmem>>) semaphore(%dma_start3A_55 : memref<!tpu.dma_semaphore, #tpu.memory_space<semaphore_mem>>)
    %dma_start3A_56 = arith.constant 2 : i32
    %dma_start3A_57 = arith.constant 2 : i32
    %dma_start3A_58 = arith.constant 0 : i32
    %dma_start3A_59 = arith.constant 0 : i32
    %dma_start3A_60 = tpu.memref_slice %arg6[%dma_start3A_56, %dma_start3A_58, %dma_start3A_59] : memref<4x200x128xf32, #tpu.memory_space<vmem>> -> memref<1x128x128xf32, #tpu.memory_space<vmem>>
    %dma_start3A_61 = tpu.memref_squeeze %dma_start3A_60 : memref<1x128x128xf32, #tpu.memory_space<vmem>> -> memref<128x128xf32, #tpu.memory_space<vmem>>
    %dma_start3A_62 = arith.constant 400 : i32
    %dma_start3A_63 = tpu.memref_slice %arg5[%dma_start3A_62] : memref<25600xi32, #tpu.memory_space<vmem>> -> memref<128xi32, #tpu.memory_space<vmem>>
    %dma_start3A_64 = arith.constant 0 : i32
    %dma_start3A_65 = arith.constant 0 : i32
    %dma_start3A_66 = tpu.memref_slice %arg2[%dma_start3A_64, %dma_start3A_65] : memref<1000000x128xf32, #tpu.memory_space<hbm>> -> memref<1000000x128xf32, #tpu.memory_space<hbm>>
    %dma_start3A_67 = tpu.memref_slice %arg7[%dma_start3A_57] : memref<4x!tpu.dma_semaphore, #tpu.memory_space<semaphore_mem>> -> memref<1x!tpu.dma_semaphore, #tpu.memory_space<semaphore_mem>>
    %dma_start3A_68 = tpu.memref_squeeze %dma_start3A_67 : memref<1x!tpu.dma_semaphore, #tpu.memory_space<semaphore_mem>> -> memref<!tpu.dma_semaphore, #tpu.memory_space<semaphore_mem>>
    tpu.enqueue_indirect_dma source(%dma_start3A_66 : memref<1000000x128xf32, #tpu.memory_space<hbm>>) target(%dma_start3A_61 : memref<128x128xf32, #tpu.memory_space<vmem>>) offsets(%dma_start3A_63 : memref<128xi32, #tpu.memory_space<vmem>>) semaphore(%dma_start3A_68 : memref<!tpu.dma_semaphore, #tpu.memory_space<semaphore_mem>>)
    %dma_start3A_69 = arith.constant 2 : i32
    %dma_start3A_70 = arith.constant 2 : i32
    %dma_start3A_71 = arith.constant 128 : i32
    %dma_start3A_72 = arith.constant 0 : i32
    %dma_start3A_73 = tpu.memref_slice %arg6[%dma_start3A_69, %dma_start3A_71, %dma_start3A_72] : memref<4x200x128xf32, #tpu.memory_space<vmem>> -> memref<1x72x128xf32, #tpu.memory_space<vmem>>
    %dma_start3A_74 = tpu.memref_squeeze %dma_start3A_73 : memref<1x72x128xf32, #tpu.memory_space<vmem>> -> memref<72x128xf32, #tpu.memory_space<vmem>>
    %dma_start3A_75 = arith.constant 528 : i32
    %dma_start3A_76 = tpu.memref_slice %arg5[%dma_start3A_75] : memref<25600xi32, #tpu.memory_space<vmem>> -> memref<72xi32, #tpu.memory_space<vmem>>
    %dma_start3A_77 = arith.constant 0 : i32
    %dma_start3A_78 = arith.constant 0 : i32
    %dma_start3A_79 = tpu.memref_slice %arg2[%dma_start3A_77, %dma_start3A_78] : memref<1000000x128xf32, #tpu.memory_space<hbm>> -> memref<1000000x128xf32, #tpu.memory_space<hbm>>
    %dma_start3A_80 = tpu.memref_slice %arg7[%dma_start3A_70] : memref<4x!tpu.dma_semaphore, #tpu.memory_space<semaphore_mem>> -> memref<1x!tpu.dma_semaphore, #tpu.memory_space<semaphore_mem>>
    %dma_start3A_81 = tpu.memref_squeeze %dma_start3A_80 : memref<1x!tpu.dma_semaphore, #tpu.memory_space<semaphore_mem>> -> memref<!tpu.dma_semaphore, #tpu.memory_space<semaphore_mem>>
    tpu.enqueue_indirect_dma source(%dma_start3A_79 : memref<1000000x128xf32, #tpu.memory_space<hbm>>) target(%dma_start3A_74 : memref<72x128xf32, #tpu.memory_space<vmem>>) offsets(%dma_start3A_76 : memref<72xi32, #tpu.memory_space<vmem>>) semaphore(%dma_start3A_81 : memref<!tpu.dma_semaphore, #tpu.memory_space<semaphore_mem>>)
    %dma_start3A_82 = arith.constant 3 : i32
    %dma_start3A_83 = arith.constant 3 : i32
    %dma_start3A_84 = arith.constant 0 : i32
    %dma_start3A_85 = arith.constant 0 : i32
    %dma_start3A_86 = tpu.memref_slice %arg6[%dma_start3A_82, %dma_start3A_84, %dma_start3A_85] : memref<4x200x128xf32, #tpu.memory_space<vmem>> -> memref<1x128x128xf32, #tpu.memory_space<vmem>>
    %dma_start3A_87 = tpu.memref_squeeze %dma_start3A_86 : memref<1x128x128xf32, #tpu.memory_space<vmem>> -> memref<128x128xf32, #tpu.memory_space<vmem>>
    %dma_start3A_88 = arith.constant 600 : i32
    %dma_start3A_89 = tpu.memref_slice %arg5[%dma_start3A_88] : memref<25600xi32, #tpu.memory_space<vmem>> -> memref<128xi32, #tpu.memory_space<vmem>>
    %dma_start3A_90 = arith.constant 0 : i32
    %dma_start3A_91 = arith.constant 0 : i32
    %dma_start3A_92 = tpu.memref_slice %arg2[%dma_start3A_90, %dma_start3A_91] : memref<1000000x128xf32, #tpu.memory_space<hbm>> -> memref<1000000x128xf32, #tpu.memory_space<hbm>>
    %dma_start3A_93 = tpu.memref_slice %arg7[%dma_start3A_83] : memref<4x!tpu.dma_semaphore, #tpu.memory_space<semaphore_mem>> -> memref<1x!tpu.dma_semaphore, #tpu.memory_space<semaphore_mem>>
    %dma_start3A_94 = tpu.memref_squeeze %dma_start3A_93 : memref<1x!tpu.dma_semaphore, #tpu.memory_space<semaphore_mem>> -> memref<!tpu.dma_semaphore, #tpu.memory_space<semaphore_mem>>
    tpu.enqueue_indirect_dma source(%dma_start3A_92 : memref<1000000x128xf32, #tpu.memory_space<hbm>>) target(%dma_start3A_87 : memref<128x128xf32, #tpu.memory_space<vmem>>) offsets(%dma_start3A_89 : memref<128xi32, #tpu.memory_space<vmem>>) semaphore(%dma_start3A_94 : memref<!tpu.dma_semaphore, #tpu.memory_space<semaphore_mem>>)
    %dma_start3A_95 = arith.constant 3 : i32
    %dma_start3A_96 = arith.constant 3 : i32
    %dma_start3A_97 = arith.constant 128 : i32
    %dma_start3A_98 = arith.constant 0 : i32
    %dma_start3A_99 = tpu.memref_slice %arg6[%dma_start3A_95, %dma_start3A_97, %dma_start3A_98] : memref<4x200x128xf32, #tpu.memory_space<vmem>> -> memref<1x72x128xf32, #tpu.memory_space<vmem>>
    %dma_start3A_100 = tpu.memref_squeeze %dma_start3A_99 : memref<1x72x128xf32, #tpu.memory_space<vmem>> -> memref<72x128xf32, #tpu.memory_space<vmem>>
    %dma_start3A_101 = arith.constant 728 : i32
    %dma_start3A_102 = tpu.memref_slice %arg5[%dma_start3A_101] : memref<25600xi32, #tpu.memory_space<vmem>> -> memref<72xi32, #tpu.memory_space<vmem>>
    %dma_start3A_103 = arith.constant 0 : i32
    %dma_start3A_104 = arith.constant 0 : i32
    %dma_start3A_105 = tpu.memref_slice %arg2[%dma_start3A_103, %dma_start3A_104] : memref<1000000x128xf32, #tpu.memory_space<hbm>> -> memref<1000000x128xf32, #tpu.memory_space<hbm>>
    %dma_start3A_106 = tpu.memref_slice %arg7[%dma_start3A_96] : memref<4x!tpu.dma_semaphore, #tpu.memory_space<semaphore_mem>> -> memref<1x!tpu.dma_semaphore, #tpu.memory_space<semaphore_mem>>
    %dma_start3A_107 = tpu.memref_squeeze %dma_start3A_106 : memref<1x!tpu.dma_semaphore, #tpu.memory_space<semaphore_mem>> -> memref<!tpu.dma_semaphore, #tpu.memory_space<semaphore_mem>>
    tpu.enqueue_indirect_dma source(%dma_start3A_105 : memref<1000000x128xf32, #tpu.memory_space<hbm>>) target(%dma_start3A_100 : memref<72x128xf32, #tpu.memory_space<vmem>>) offsets(%dma_start3A_102 : memref<72xi32, #tpu.memory_space<vmem>>) semaphore(%dma_start3A_107 : memref<!tpu.dma_semaphore, #tpu.memory_space<semaphore_mem>>)
    %scan3A = arith.constant 0 : i32
    %scan3A_108 = arith.constant 0 : i32
    %scan3A_109 = arith.constant 31 : i32
    %scan3A_110 = arith.addi %scan3A_108, %scan3A_109 : i32
    %scan3A_111 = arith.constant 1 : i32
    scf.for %scan3A_352 = %scan3A_108 to %scan3A_110 step %scan3A_111  : i32 {
      %mul3A_353 = arith.constant 4 : i32
      %mul3A_354 = arith.muli %scan3A_352, %mul3A_353 : i32
      %dma_wait3A_355 = arith.constant 0 : i32
      %dma_wait3A_356 = arith.constant 0 : i32
      %dma_wait3A_357 = arith.constant 0 : i32
      %dma_wait3A_358 = arith.constant 0 : i32
      %dma_wait3A_359 = tpu.memref_slice %arg6[%dma_wait3A_355, %dma_wait3A_357, %dma_wait3A_358] : memref<4x200x128xf32, #tpu.memory_space<vmem>> -> memref<1x200x128xf32, #tpu.memory_space<vmem>>
      %dma_wait3A_360 = tpu.memref_squeeze %dma_wait3A_359 : memref<1x200x128xf32, #tpu.memory_space<vmem>> -> memref<200x128xf32, #tpu.memory_space<vmem>>
      %dma_wait3A_361 = arith.constant 0 : i32
      %dma_wait3A_362 = arith.constant 0 : i32
      %dma_wait3A_363 = tpu.memref_slice %arg2[%dma_wait3A_361, %dma_wait3A_362] : memref<1000000x128xf32, #tpu.memory_space<hbm>> -> memref<200x128xf32, #tpu.memory_space<hbm>>
      %dma_wait3A_364 = tpu.memref_slice %arg7[%dma_wait3A_356] : memref<4x!tpu.dma_semaphore, #tpu.memory_space<semaphore_mem>> -> memref<1x!tpu.dma_semaphore, #tpu.memory_space<semaphore_mem>>
      %dma_wait3A_365 = tpu.memref_squeeze %dma_wait3A_364 : memref<1x!tpu.dma_semaphore, #tpu.memory_space<semaphore_mem>> -> memref<!tpu.dma_semaphore, #tpu.memory_space<semaphore_mem>>
      %dma_wait3A_366 = arith.constant 0 : i32
      %dma_wait3A_367 = arith.constant 0 : i32
      %dma_wait3A_368 = tpu.memref_slice %arg6[%dma_wait3A_355, %dma_wait3A_366, %dma_wait3A_367] : memref<4x200x128xf32, #tpu.memory_space<vmem>> -> memref<1x200x128xf32, #tpu.memory_space<vmem>>
      %dma_wait3A_369 = tpu.memref_squeeze %dma_wait3A_368 : memref<1x200x128xf32, #tpu.memory_space<vmem>> -> memref<200x128xf32, #tpu.memory_space<vmem>>
      %dma_wait3A_370 = arith.constant 0 : i32
      %dma_wait3A_371 = arith.constant 0 : i32
      %dma_wait3A_372 = tpu.memref_slice %arg2[%dma_wait3A_370, %dma_wait3A_371] : memref<1000000x128xf32, #tpu.memory_space<hbm>> -> memref<200x128xf32, #tpu.memory_space<hbm>>
      tpu.wait_dma2 semaphore(%dma_wait3A_365 : memref<!tpu.dma_semaphore, #tpu.memory_space<semaphore_mem>>) src(%dma_wait3A_372 : memref<200x128xf32, #tpu.memory_space<hbm>>) dst(%dma_wait3A_369 : memref<200x128xf32, #tpu.memory_space<vmem>>)
      %add3A_373 = arith.constant 0 : i32
      %add3A_374 = arith.addi %mul3A_354, %add3A_373 : i32
      %add3A_375 = arith.addi %mul3A_2, %add3A_374 : i32
      %dma_start3A_376 = arith.constant 0 : i32
      %dma_start3A_377 = arith.constant 0 : i32
      %dma_start3A_378 = arith.constant 0 : i32
      %dma_start3A_379 = arith.constant 0 : i32
      %dma_start3A_380 = tpu.memref_slice %arg6[%dma_start3A_376, %dma_start3A_378, %dma_start3A_379] : memref<4x200x128xf32, #tpu.memory_space<vmem>> -> memref<1x200x128xf32, #tpu.memory_space<vmem>>
      %dma_start3A_381 = tpu.memref_squeeze %dma_start3A_380 : memref<1x200x128xf32, #tpu.memory_space<vmem>> -> memref<200x128xf32, #tpu.memory_space<vmem>>
      %dma_start3A_382 = arith.constant 0 : i32
      %dma_start3A_383 = arith.constant 0 : i32
      %dma_start3A_384 = tpu.memref_slice %arg4[%add3A_375, %dma_start3A_382, %dma_start3A_383] : memref<4096x200x128xf32, #tpu.memory_space<hbm>> -> memref<1x200x128xf32, #tpu.memory_space<hbm>>
      %dma_start3A_385 = tpu.memref_squeeze %dma_start3A_384 : memref<1x200x128xf32, #tpu.memory_space<hbm>> -> memref<200x128xf32, #tpu.memory_space<hbm>>
      %dma_start3A_386 = tpu.memref_slice %arg8[%dma_start3A_377] : memref<4x!tpu.dma_semaphore, #tpu.memory_space<semaphore_mem>> -> memref<1x!tpu.dma_semaphore, #tpu.memory_space<semaphore_mem>>
      %dma_start3A_387 = tpu.memref_squeeze %dma_start3A_386 : memref<1x!tpu.dma_semaphore, #tpu.memory_space<semaphore_mem>> -> memref<!tpu.dma_semaphore, #tpu.memory_space<semaphore_mem>>
      %dma_start3A_388 = arith.constant 0 : i32
      %dma_start3A_389 = arith.constant 0 : i32
      %dma_start3A_390 = tpu.memref_slice %arg4[%add3A_375, %dma_start3A_388, %dma_start3A_389] : memref<4096x200x128xf32, #tpu.memory_space<hbm>> -> memref<1x200x128xf32, #tpu.memory_space<hbm>>
      %dma_start3A_391 = tpu.memref_squeeze %dma_start3A_390 : memref<1x200x128xf32, #tpu.memory_space<hbm>> -> memref<200x128xf32, #tpu.memory_space<hbm>>
      %dma_start3A_392 = arith.constant 0 : i32
      %dma_start3A_393 = arith.constant 0 : i32
      %dma_start3A_394 = tpu.memref_slice %arg6[%dma_start3A_376, %dma_start3A_392, %dma_start3A_393] : memref<4x200x128xf32, #tpu.memory_space<vmem>> -> memref<1x200x128xf32, #tpu.memory_space<vmem>>
      %dma_start3A_395 = tpu.memref_squeeze %dma_start3A_394 : memref<1x200x128xf32, #tpu.memory_space<vmem>> -> memref<200x128xf32, #tpu.memory_space<vmem>>
      tpu.enqueue_dma source(%dma_start3A_395 : memref<200x128xf32, #tpu.memory_space<vmem>>) target(%dma_start3A_391 : memref<200x128xf32, #tpu.memory_space<hbm>>) target_semaphore(%dma_start3A_387 : memref<!tpu.dma_semaphore, #tpu.memory_space<semaphore_mem>>)
      %dma_wait3A_396 = arith.constant 1 : i32
      %dma_wait3A_397 = arith.constant 1 : i32
      %dma_wait3A_398 = arith.constant 0 : i32
      %dma_wait3A_399 = arith.constant 0 : i32
      %dma_wait3A_400 = tpu.memref_slice %arg6[%dma_wait3A_396, %dma_wait3A_398, %dma_wait3A_399] : memref<4x200x128xf32, #tpu.memory_space<vmem>> -> memref<1x200x128xf32, #tpu.memory_space<vmem>>
      %dma_wait3A_401 = tpu.memref_squeeze %dma_wait3A_400 : memref<1x200x128xf32, #tpu.memory_space<vmem>> -> memref<200x128xf32, #tpu.memory_space<vmem>>
      %dma_wait3A_402 = arith.constant 0 : i32
      %dma_wait3A_403 = arith.constant 0 : i32
      %dma_wait3A_404 = tpu.memref_slice %arg2[%dma_wait3A_402, %dma_wait3A_403] : memref<1000000x128xf32, #tpu.memory_space<hbm>> -> memref<200x128xf32, #tpu.memory_space<hbm>>
      %dma_wait3A_405 = tpu.memref_slice %arg7[%dma_wait3A_397] : memref<4x!tpu.dma_semaphore, #tpu.memory_space<semaphore_mem>> -> memref<1x!tpu.dma_semaphore, #tpu.memory_space<semaphore_mem>>
      %dma_wait3A_406 = tpu.memref_squeeze %dma_wait3A_405 : memref<1x!tpu.dma_semaphore, #tpu.memory_space<semaphore_mem>> -> memref<!tpu.dma_semaphore, #tpu.memory_space<semaphore_mem>>
      %dma_wait3A_407 = arith.constant 0 : i32
      %dma_wait3A_408 = arith.constant 0 : i32
      %dma_wait3A_409 = tpu.memref_slice %arg6[%dma_wait3A_396, %dma_wait3A_407, %dma_wait3A_408] : memref<4x200x128xf32, #tpu.memory_space<vmem>> -> memref<1x200x128xf32, #tpu.memory_space<vmem>>
      %dma_wait3A_410 = tpu.memref_squeeze %dma_wait3A_409 : memref<1x200x128xf32, #tpu.memory_space<vmem>> -> memref<200x128xf32, #tpu.memory_space<vmem>>
      %dma_wait3A_411 = arith.constant 0 : i32
      %dma_wait3A_412 = arith.constant 0 : i32
      %dma_wait3A_413 = tpu.memref_slice %arg2[%dma_wait3A_411, %dma_wait3A_412] : memref<1000000x128xf32, #tpu.memory_space<hbm>> -> memref<200x128xf32, #tpu.memory_space<hbm>>
      tpu.wait_dma2 semaphore(%dma_wait3A_406 : memref<!tpu.dma_semaphore, #tpu.memory_space<semaphore_mem>>) src(%dma_wait3A_413 : memref<200x128xf32, #tpu.memory_space<hbm>>) dst(%dma_wait3A_410 : memref<200x128xf32, #tpu.memory_space<vmem>>)
      %add3A_414 = arith.constant 1 : i32
      %add3A_415 = arith.addi %mul3A_354, %add3A_414 : i32
      %add3A_416 = arith.addi %mul3A_2, %add3A_415 : i32
      %dma_start3A_417 = arith.constant 1 : i32
      %dma_start3A_418 = arith.constant 1 : i32
      %dma_start3A_419 = arith.constant 0 : i32
      %dma_start3A_420 = arith.constant 0 : i32
      %dma_start3A_421 = tpu.memref_slice %arg6[%dma_start3A_417, %dma_start3A_419, %dma_start3A_420] : memref<4x200x128xf32, #tpu.memory_space<vmem>> -> memref<1x200x128xf32, #tpu.memory_space<vmem>>
      %dma_start3A_422 = tpu.memref_squeeze %dma_start3A_421 : memref<1x200x128xf32, #tpu.memory_space<vmem>> -> memref<200x128xf32, #tpu.memory_space<vmem>>
      %dma_start3A_423 = arith.constant 0 : i32
      %dma_start3A_424 = arith.constant 0 : i32
      %dma_start3A_425 = tpu.memref_slice %arg4[%add3A_416, %dma_start3A_423, %dma_start3A_424] : memref<4096x200x128xf32, #tpu.memory_space<hbm>> -> memref<1x200x128xf32, #tpu.memory_space<hbm>>
      %dma_start3A_426 = tpu.memref_squeeze %dma_start3A_425 : memref<1x200x128xf32, #tpu.memory_space<hbm>> -> memref<200x128xf32, #tpu.memory_space<hbm>>
      %dma_start3A_427 = tpu.memref_slice %arg8[%dma_start3A_418] : memref<4x!tpu.dma_semaphore, #tpu.memory_space<semaphore_mem>> -> memref<1x!tpu.dma_semaphore, #tpu.memory_space<semaphore_mem>>
      %dma_start3A_428 = tpu.memref_squeeze %dma_start3A_427 : memref<1x!tpu.dma_semaphore, #tpu.memory_space<semaphore_mem>> -> memref<!tpu.dma_semaphore, #tpu.memory_space<semaphore_mem>>
      %dma_start3A_429 = arith.constant 0 : i32
      %dma_start3A_430 = arith.constant 0 : i32
      %dma_start3A_431 = tpu.memref_slice %arg4[%add3A_416, %dma_start3A_429, %dma_start3A_430] : memref<4096x200x128xf32, #tpu.memory_space<hbm>> -> memref<1x200x128xf32, #tpu.memory_space<hbm>>
      %dma_start3A_432 = tpu.memref_squeeze %dma_start3A_431 : memref<1x200x128xf32, #tpu.memory_space<hbm>> -> memref<200x128xf32, #tpu.memory_space<hbm>>
      %dma_start3A_433 = arith.constant 0 : i32
      %dma_start3A_434 = arith.constant 0 : i32
      %dma_start3A_435 = tpu.memref_slice %arg6[%dma_start3A_417, %dma_start3A_433, %dma_start3A_434] : memref<4x200x128xf32, #tpu.memory_space<vmem>> -> memref<1x200x128xf32, #tpu.memory_space<vmem>>
      %dma_start3A_436 = tpu.memref_squeeze %dma_start3A_435 : memref<1x200x128xf32, #tpu.memory_space<vmem>> -> memref<200x128xf32, #tpu.memory_space<vmem>>
      tpu.enqueue_dma source(%dma_start3A_436 : memref<200x128xf32, #tpu.memory_space<vmem>>) target(%dma_start3A_432 : memref<200x128xf32, #tpu.memory_space<hbm>>) target_semaphore(%dma_start3A_428 : memref<!tpu.dma_semaphore, #tpu.memory_space<semaphore_mem>>)
      %dma_wait3A_437 = arith.constant 2 : i32
      %dma_wait3A_438 = arith.constant 2 : i32
      %dma_wait3A_439 = arith.constant 0 : i32
      %dma_wait3A_440 = arith.constant 0 : i32
      %dma_wait3A_441 = tpu.memref_slice %arg6[%dma_wait3A_437, %dma_wait3A_439, %dma_wait3A_440] : memref<4x200x128xf32, #tpu.memory_space<vmem>> -> memref<1x200x128xf32, #tpu.memory_space<vmem>>
      %dma_wait3A_442 = tpu.memref_squeeze %dma_wait3A_441 : memref<1x200x128xf32, #tpu.memory_space<vmem>> -> memref<200x128xf32, #tpu.memory_space<vmem>>
      %dma_wait3A_443 = arith.constant 0 : i32
      %dma_wait3A_444 = arith.constant 0 : i32
      %dma_wait3A_445 = tpu.memref_slice %arg2[%dma_wait3A_443, %dma_wait3A_444] : memref<1000000x128xf32, #tpu.memory_space<hbm>> -> memref<200x128xf32, #tpu.memory_space<hbm>>
      %dma_wait3A_446 = tpu.memref_slice %arg7[%dma_wait3A_438] : memref<4x!tpu.dma_semaphore, #tpu.memory_space<semaphore_mem>> -> memref<1x!tpu.dma_semaphore, #tpu.memory_space<semaphore_mem>>
      %dma_wait3A_447 = tpu.memref_squeeze %dma_wait3A_446 : memref<1x!tpu.dma_semaphore, #tpu.memory_space<semaphore_mem>> -> memref<!tpu.dma_semaphore, #tpu.memory_space<semaphore_mem>>
      %dma_wait3A_448 = arith.constant 0 : i32
      %dma_wait3A_449 = arith.constant 0 : i32
      %dma_wait3A_450 = tpu.memref_slice %arg6[%dma_wait3A_437, %dma_wait3A_448, %dma_wait3A_449] : memref<4x200x128xf32, #tpu.memory_space<vmem>> -> memref<1x200x128xf32, #tpu.memory_space<vmem>>
      %dma_wait3A_451 = tpu.memref_squeeze %dma_wait3A_450 : memref<1x200x128xf32, #tpu.memory_space<vmem>> -> memref<200x128xf32, #tpu.memory_space<vmem>>
      %dma_wait3A_452 = arith.constant 0 : i32
      %dma_wait3A_453 = arith.constant 0 : i32
      %dma_wait3A_454 = tpu.memref_slice %arg2[%dma_wait3A_452, %dma_wait3A_453] : memref<1000000x128xf32, #tpu.memory_space<hbm>> -> memref<200x128xf32, #tpu.memory_space<hbm>>
      tpu.wait_dma2 semaphore(%dma_wait3A_447 : memref<!tpu.dma_semaphore, #tpu.memory_space<semaphore_mem>>) src(%dma_wait3A_454 : memref<200x128xf32, #tpu.memory_space<hbm>>) dst(%dma_wait3A_451 : memref<200x128xf32, #tpu.memory_space<vmem>>)
      %add3A_455 = arith.constant 2 : i32
      %add3A_456 = arith.addi %mul3A_354, %add3A_455 : i32
      %add3A_457 = arith.addi %mul3A_2, %add3A_456 : i32
      %dma_start3A_458 = arith.constant 2 : i32
      %dma_start3A_459 = arith.constant 2 : i32
      %dma_start3A_460 = arith.constant 0 : i32
      %dma_start3A_461 = arith.constant 0 : i32
      %dma_start3A_462 = tpu.memref_slice %arg6[%dma_start3A_458, %dma_start3A_460, %dma_start3A_461] : memref<4x200x128xf32, #tpu.memory_space<vmem>> -> memref<1x200x128xf32, #tpu.memory_space<vmem>>
      %dma_start3A_463 = tpu.memref_squeeze %dma_start3A_462 : memref<1x200x128xf32, #tpu.memory_space<vmem>> -> memref<200x128xf32, #tpu.memory_space<vmem>>
      %dma_start3A_464 = arith.constant 0 : i32
      %dma_start3A_465 = arith.constant 0 : i32
      %dma_start3A_466 = tpu.memref_slice %arg4[%add3A_457, %dma_start3A_464, %dma_start3A_465] : memref<4096x200x128xf32, #tpu.memory_space<hbm>> -> memref<1x200x128xf32, #tpu.memory_space<hbm>>
      %dma_start3A_467 = tpu.memref_squeeze %dma_start3A_466 : memref<1x200x128xf32, #tpu.memory_space<hbm>> -> memref<200x128xf32, #tpu.memory_space<hbm>>
      %dma_start3A_468 = tpu.memref_slice %arg8[%dma_start3A_459] : memref<4x!tpu.dma_semaphore, #tpu.memory_space<semaphore_mem>> -> memref<1x!tpu.dma_semaphore, #tpu.memory_space<semaphore_mem>>
      %dma_start3A_469 = tpu.memref_squeeze %dma_start3A_468 : memref<1x!tpu.dma_semaphore, #tpu.memory_space<semaphore_mem>> -> memref<!tpu.dma_semaphore, #tpu.memory_space<semaphore_mem>>
      %dma_start3A_470 = arith.constant 0 : i32
      %dma_start3A_471 = arith.constant 0 : i32
      %dma_start3A_472 = tpu.memref_slice %arg4[%add3A_457, %dma_start3A_470, %dma_start3A_471] : memref<4096x200x128xf32, #tpu.memory_space<hbm>> -> memref<1x200x128xf32, #tpu.memory_space<hbm>>
      %dma_start3A_473 = tpu.memref_squeeze %dma_start3A_472 : memref<1x200x128xf32, #tpu.memory_space<hbm>> -> memref<200x128xf32, #tpu.memory_space<hbm>>
      %dma_start3A_474 = arith.constant 0 : i32
      %dma_start3A_475 = arith.constant 0 : i32
      %dma_start3A_476 = tpu.memref_slice %arg6[%dma_start3A_458, %dma_start3A_474, %dma_start3A_475] : memref<4x200x128xf32, #tpu.memory_space<vmem>> -> memref<1x200x128xf32, #tpu.memory_space<vmem>>
      %dma_start3A_477 = tpu.memref_squeeze %dma_start3A_476 : memref<1x200x128xf32, #tpu.memory_space<vmem>> -> memref<200x128xf32, #tpu.memory_space<vmem>>
      tpu.enqueue_dma source(%dma_start3A_477 : memref<200x128xf32, #tpu.memory_space<vmem>>) target(%dma_start3A_473 : memref<200x128xf32, #tpu.memory_space<hbm>>) target_semaphore(%dma_start3A_469 : memref<!tpu.dma_semaphore, #tpu.memory_space<semaphore_mem>>)
      %dma_wait3A_478 = arith.constant 3 : i32
      %dma_wait3A_479 = arith.constant 3 : i32
      %dma_wait3A_480 = arith.constant 0 : i32
      %dma_wait3A_481 = arith.constant 0 : i32
      %dma_wait3A_482 = tpu.memref_slice %arg6[%dma_wait3A_478, %dma_wait3A_480, %dma_wait3A_481] : memref<4x200x128xf32, #tpu.memory_space<vmem>> -> memref<1x200x128xf32, #tpu.memory_space<vmem>>
      %dma_wait3A_483 = tpu.memref_squeeze %dma_wait3A_482 : memref<1x200x128xf32, #tpu.memory_space<vmem>> -> memref<200x128xf32, #tpu.memory_space<vmem>>
      %dma_wait3A_484 = arith.constant 0 : i32
      %dma_wait3A_485 = arith.constant 0 : i32
      %dma_wait3A_486 = tpu.memref_slice %arg2[%dma_wait3A_484, %dma_wait3A_485] : memref<1000000x128xf32, #tpu.memory_space<hbm>> -> memref<200x128xf32, #tpu.memory_space<hbm>>
      %dma_wait3A_487 = tpu.memref_slice %arg7[%dma_wait3A_479] : memref<4x!tpu.dma_semaphore, #tpu.memory_space<semaphore_mem>> -> memref<1x!tpu.dma_semaphore, #tpu.memory_space<semaphore_mem>>
      %dma_wait3A_488 = tpu.memref_squeeze %dma_wait3A_487 : memref<1x!tpu.dma_semaphore, #tpu.memory_space<semaphore_mem>> -> memref<!tpu.dma_semaphore, #tpu.memory_space<semaphore_mem>>
      %dma_wait3A_489 = arith.constant 0 : i32
      %dma_wait3A_490 = arith.constant 0 : i32
      %dma_wait3A_491 = tpu.memref_slice %arg6[%dma_wait3A_478, %dma_wait3A_489, %dma_wait3A_490] : memref<4x200x128xf32, #tpu.memory_space<vmem>> -> memref<1x200x128xf32, #tpu.memory_space<vmem>>
      %dma_wait3A_492 = tpu.memref_squeeze %dma_wait3A_491 : memref<1x200x128xf32, #tpu.memory_space<vmem>> -> memref<200x128xf32, #tpu.memory_space<vmem>>
      %dma_wait3A_493 = arith.constant 0 : i32
      %dma_wait3A_494 = arith.constant 0 : i32
      %dma_wait3A_495 = tpu.memref_slice %arg2[%dma_wait3A_493, %dma_wait3A_494] : memref<1000000x128xf32, #tpu.memory_space<hbm>> -> memref<200x128xf32, #tpu.memory_space<hbm>>
      tpu.wait_dma2 semaphore(%dma_wait3A_488 : memref<!tpu.dma_semaphore, #tpu.memory_space<semaphore_mem>>) src(%dma_wait3A_495 : memref<200x128xf32, #tpu.memory_space<hbm>>) dst(%dma_wait3A_492 : memref<200x128xf32, #tpu.memory_space<vmem>>)
      %add3A_496 = arith.constant 3 : i32
      %add3A_497 = arith.addi %mul3A_354, %add3A_496 : i32
      %add3A_498 = arith.addi %mul3A_2, %add3A_497 : i32
      %dma_start3A_499 = arith.constant 3 : i32
      %dma_start3A_500 = arith.constant 3 : i32
      %dma_start3A_501 = arith.constant 0 : i32
      %dma_start3A_502 = arith.constant 0 : i32
      %dma_start3A_503 = tpu.memref_slice %arg6[%dma_start3A_499, %dma_start3A_501, %dma_start3A_502] : memref<4x200x128xf32, #tpu.memory_space<vmem>> -> memref<1x200x128xf32, #tpu.memory_space<vmem>>
      %dma_start3A_504 = tpu.memref_squeeze %dma_start3A_503 : memref<1x200x128xf32, #tpu.memory_space<vmem>> -> memref<200x128xf32, #tpu.memory_space<vmem>>
      %dma_start3A_505 = arith.constant 0 : i32
      %dma_start3A_506 = arith.constant 0 : i32
      %dma_start3A_507 = tpu.memref_slice %arg4[%add3A_498, %dma_start3A_505, %dma_start3A_506] : memref<4096x200x128xf32, #tpu.memory_space<hbm>> -> memref<1x200x128xf32, #tpu.memory_space<hbm>>
      %dma_start3A_508 = tpu.memref_squeeze %dma_start3A_507 : memref<1x200x128xf32, #tpu.memory_space<hbm>> -> memref<200x128xf32, #tpu.memory_space<hbm>>
      %dma_start3A_509 = tpu.memref_slice %arg8[%dma_start3A_500] : memref<4x!tpu.dma_semaphore, #tpu.memory_space<semaphore_mem>> -> memref<1x!tpu.dma_semaphore, #tpu.memory_space<semaphore_mem>>
      %dma_start3A_510 = tpu.memref_squeeze %dma_start3A_509 : memref<1x!tpu.dma_semaphore, #tpu.memory_space<semaphore_mem>> -> memref<!tpu.dma_semaphore, #tpu.memory_space<semaphore_mem>>
      %dma_start3A_511 = arith.constant 0 : i32
      %dma_start3A_512 = arith.constant 0 : i32
      %dma_start3A_513 = tpu.memref_slice %arg4[%add3A_498, %dma_start3A_511, %dma_start3A_512] : memref<4096x200x128xf32, #tpu.memory_space<hbm>> -> memref<1x200x128xf32, #tpu.memory_space<hbm>>
      %dma_start3A_514 = tpu.memref_squeeze %dma_start3A_513 : memref<1x200x128xf32, #tpu.memory_space<hbm>> -> memref<200x128xf32, #tpu.memory_space<hbm>>
      %dma_start3A_515 = arith.constant 0 : i32
      %dma_start3A_516 = arith.constant 0 : i32
      %dma_start3A_517 = tpu.memref_slice %arg6[%dma_start3A_499, %dma_start3A_515, %dma_start3A_516] : memref<4x200x128xf32, #tpu.memory_space<vmem>> -> memref<1x200x128xf32, #tpu.memory_space<vmem>>
      %dma_start3A_518 = tpu.memref_squeeze %dma_start3A_517 : memref<1x200x128xf32, #tpu.memory_space<vmem>> -> memref<200x128xf32, #tpu.memory_space<vmem>>
      tpu.enqueue_dma source(%dma_start3A_518 : memref<200x128xf32, #tpu.memory_space<vmem>>) target(%dma_start3A_514 : memref<200x128xf32, #tpu.memory_space<hbm>>) target_semaphore(%dma_start3A_510 : memref<!tpu.dma_semaphore, #tpu.memory_space<semaphore_mem>>)
      %dma_wait3A_519 = arith.constant 0 : i32
      %dma_wait3A_520 = arith.constant 0 : i32
      %dma_wait3A_521 = arith.constant 0 : i32
      %dma_wait3A_522 = arith.constant 0 : i32
      %dma_wait3A_523 = tpu.memref_slice %arg6[%dma_wait3A_519, %dma_wait3A_521, %dma_wait3A_522] : memref<4x200x128xf32, #tpu.memory_space<vmem>> -> memref<1x200x128xf32, #tpu.memory_space<vmem>>
      %dma_wait3A_524 = tpu.memref_squeeze %dma_wait3A_523 : memref<1x200x128xf32, #tpu.memory_space<vmem>> -> memref<200x128xf32, #tpu.memory_space<vmem>>
      %dma_wait3A_525 = arith.constant 0 : i32
      %dma_wait3A_526 = arith.constant 0 : i32
      %dma_wait3A_527 = tpu.memref_slice %arg4[%mul3A_2, %dma_wait3A_525, %dma_wait3A_526] : memref<4096x200x128xf32, #tpu.memory_space<hbm>> -> memref<1x200x128xf32, #tpu.memory_space<hbm>>
      %dma_wait3A_528 = tpu.memref_squeeze %dma_wait3A_527 : memref<1x200x128xf32, #tpu.memory_space<hbm>> -> memref<200x128xf32, #tpu.memory_space<hbm>>
      %dma_wait3A_529 = tpu.memref_slice %arg8[%dma_wait3A_520] : memref<4x!tpu.dma_semaphore, #tpu.memory_space<semaphore_mem>> -> memref<1x!tpu.dma_semaphore, #tpu.memory_space<semaphore_mem>>
      %dma_wait3A_530 = tpu.memref_squeeze %dma_wait3A_529 : memref<1x!tpu.dma_semaphore, #tpu.memory_space<semaphore_mem>> -> memref<!tpu.dma_semaphore, #tpu.memory_space<semaphore_mem>>
      %dma_wait3A_531 = arith.constant 0 : i32
      %dma_wait3A_532 = arith.constant 0 : i32
      %dma_wait3A_533 = tpu.memref_slice %arg4[%mul3A_2, %dma_wait3A_531, %dma_wait3A_532] : memref<4096x200x128xf32, #tpu.memory_space<hbm>> -> memref<1x200x128xf32, #tpu.memory_space<hbm>>
      %dma_wait3A_534 = tpu.memref_squeeze %dma_wait3A_533 : memref<1x200x128xf32, #tpu.memory_space<hbm>> -> memref<200x128xf32, #tpu.memory_space<hbm>>
      %dma_wait3A_535 = arith.constant 0 : i32
      %dma_wait3A_536 = arith.constant 0 : i32
      %dma_wait3A_537 = tpu.memref_slice %arg6[%dma_wait3A_519, %dma_wait3A_535, %dma_wait3A_536] : memref<4x200x128xf32, #tpu.memory_space<vmem>> -> memref<1x200x128xf32, #tpu.memory_space<vmem>>
      %dma_wait3A_538 = tpu.memref_squeeze %dma_wait3A_537 : memref<1x200x128xf32, #tpu.memory_space<vmem>> -> memref<200x128xf32, #tpu.memory_space<vmem>>
      tpu.wait_dma2 semaphore(%dma_wait3A_530 : memref<!tpu.dma_semaphore, #tpu.memory_space<semaphore_mem>>) src(%dma_wait3A_538 : memref<200x128xf32, #tpu.memory_space<vmem>>) dst(%dma_wait3A_534 : memref<200x128xf32, #tpu.memory_space<hbm>>)
      %add3A_539 = arith.constant 4 : i32
      %add3A_540 = arith.addi %mul3A_354, %add3A_539 : i32
      %add3A_541 = arith.constant 0 : i32
      %add3A_542 = arith.addi %add3A_540, %add3A_541 : i32
      %mul3A_543 = arith.constant 200 : i32
      %mul3A_544 = arith.muli %add3A_542, %mul3A_543 : i32
      %dma_start3A_545 = arith.constant 0 : i32
      %dma_start3A_546 = arith.constant 0 : i32
      %dma_start3A_547 = arith.constant 0 : i32
      %dma_start3A_548 = arith.constant 0 : i32
      %dma_start3A_549 = tpu.memref_slice %arg6[%dma_start3A_545, %dma_start3A_547, %dma_start3A_548] : memref<4x200x128xf32, #tpu.memory_space<vmem>> -> memref<1x128x128xf32, #tpu.memory_space<vmem>>
      %dma_start3A_550 = tpu.memref_squeeze %dma_start3A_549 : memref<1x128x128xf32, #tpu.memory_space<vmem>> -> memref<128x128xf32, #tpu.memory_space<vmem>>
      %dma_start3A_551 = tpu.memref_slice %arg5[%mul3A_544] : memref<25600xi32, #tpu.memory_space<vmem>> -> memref<128xi32, #tpu.memory_space<vmem>>
      %dma_start3A_552 = arith.constant 0 : i32
      %dma_start3A_553 = arith.constant 0 : i32
      %dma_start3A_554 = tpu.memref_slice %arg2[%dma_start3A_552, %dma_start3A_553] : memref<1000000x128xf32, #tpu.memory_space<hbm>> -> memref<1000000x128xf32, #tpu.memory_space<hbm>>
      %dma_start3A_555 = tpu.memref_slice %arg7[%dma_start3A_546] : memref<4x!tpu.dma_semaphore, #tpu.memory_space<semaphore_mem>> -> memref<1x!tpu.dma_semaphore, #tpu.memory_space<semaphore_mem>>
      %dma_start3A_556 = tpu.memref_squeeze %dma_start3A_555 : memref<1x!tpu.dma_semaphore, #tpu.memory_space<semaphore_mem>> -> memref<!tpu.dma_semaphore, #tpu.memory_space<semaphore_mem>>
      tpu.enqueue_indirect_dma source(%dma_start3A_554 : memref<1000000x128xf32, #tpu.memory_space<hbm>>) target(%dma_start3A_550 : memref<128x128xf32, #tpu.memory_space<vmem>>) offsets(%dma_start3A_551 : memref<128xi32, #tpu.memory_space<vmem>>) semaphore(%dma_start3A_556 : memref<!tpu.dma_semaphore, #tpu.memory_space<semaphore_mem>>)
      %add3A_557 = arith.constant 128 : i32
      %add3A_558 = arith.addi %mul3A_544, %add3A_557 : i32
      %dma_start3A_559 = arith.constant 0 : i32
      %dma_start3A_560 = arith.constant 0 : i32
      %dma_start3A_561 = arith.constant 128 : i32
      %dma_start3A_562 = arith.constant 0 : i32
      %dma_start3A_563 = tpu.memref_slice %arg6[%dma_start3A_559, %dma_start3A_561, %dma_start3A_562] : memref<4x200x128xf32, #tpu.memory_space<vmem>> -> memref<1x72x128xf32, #tpu.memory_space<vmem>>
      %dma_start3A_564 = tpu.memref_squeeze %dma_start3A_563 : memref<1x72x128xf32, #tpu.memory_space<vmem>> -> memref<72x128xf32, #tpu.memory_space<vmem>>
      %dma_start3A_565 = tpu.memref_slice %arg5[%add3A_558] : memref<25600xi32, #tpu.memory_space<vmem>> -> memref<72xi32, #tpu.memory_space<vmem>>
      %dma_start3A_566 = arith.constant 0 : i32
      %dma_start3A_567 = arith.constant 0 : i32
      %dma_start3A_568 = tpu.memref_slice %arg2[%dma_start3A_566, %dma_start3A_567] : memref<1000000x128xf32, #tpu.memory_space<hbm>> -> memref<1000000x128xf32, #tpu.memory_space<hbm>>
      %dma_start3A_569 = tpu.memref_slice %arg7[%dma_start3A_560] : memref<4x!tpu.dma_semaphore, #tpu.memory_space<semaphore_mem>> -> memref<1x!tpu.dma_semaphore, #tpu.memory_space<semaphore_mem>>
      %dma_start3A_570 = tpu.memref_squeeze %dma_start3A_569 : memref<1x!tpu.dma_semaphore, #tpu.memory_space<semaphore_mem>> -> memref<!tpu.dma_semaphore, #tpu.memory_space<semaphore_mem>>
      tpu.enqueue_indirect_dma source(%dma_start3A_568 : memref<1000000x128xf32, #tpu.memory_space<hbm>>) target(%dma_start3A_564 : memref<72x128xf32, #tpu.memory_space<vmem>>) offsets(%dma_start3A_565 : memref<72xi32, #tpu.memory_space<vmem>>) semaphore(%dma_start3A_570 : memref<!tpu.dma_semaphore, #tpu.memory_space<semaphore_mem>>)
      %dma_wait3A_571 = arith.constant 1 : i32
      %dma_wait3A_572 = arith.constant 1 : i32
      %dma_wait3A_573 = arith.constant 0 : i32
      %dma_wait3A_574 = arith.constant 0 : i32
      %dma_wait3A_575 = tpu.memref_slice %arg6[%dma_wait3A_571, %dma_wait3A_573, %dma_wait3A_574] : memref<4x200x128xf32, #tpu.memory_space<vmem>> -> memref<1x200x128xf32, #tpu.memory_space<vmem>>
      %dma_wait3A_576 = tpu.memref_squeeze %dma_wait3A_575 : memref<1x200x128xf32, #tpu.memory_space<vmem>> -> memref<200x128xf32, #tpu.memory_space<vmem>>
      %dma_wait3A_577 = arith.constant 0 : i32
      %dma_wait3A_578 = arith.constant 0 : i32
      %dma_wait3A_579 = tpu.memref_slice %arg4[%mul3A_2, %dma_wait3A_577, %dma_wait3A_578] : memref<4096x200x128xf32, #tpu.memory_space<hbm>> -> memref<1x200x128xf32, #tpu.memory_space<hbm>>
      %dma_wait3A_580 = tpu.memref_squeeze %dma_wait3A_579 : memref<1x200x128xf32, #tpu.memory_space<hbm>> -> memref<200x128xf32, #tpu.memory_space<hbm>>
      %dma_wait3A_581 = tpu.memref_slice %arg8[%dma_wait3A_572] : memref<4x!tpu.dma_semaphore, #tpu.memory_space<semaphore_mem>> -> memref<1x!tpu.dma_semaphore, #tpu.memory_space<semaphore_mem>>
      %dma_wait3A_582 = tpu.memref_squeeze %dma_wait3A_581 : memref<1x!tpu.dma_semaphore, #tpu.memory_space<semaphore_mem>> -> memref<!tpu.dma_semaphore, #tpu.memory_space<semaphore_mem>>
      %dma_wait3A_583 = arith.constant 0 : i32
      %dma_wait3A_584 = arith.constant 0 : i32
      %dma_wait3A_585 = tpu.memref_slice %arg4[%mul3A_2, %dma_wait3A_583, %dma_wait3A_584] : memref<4096x200x128xf32, #tpu.memory_space<hbm>> -> memref<1x200x128xf32, #tpu.memory_space<hbm>>
      %dma_wait3A_586 = tpu.memref_squeeze %dma_wait3A_585 : memref<1x200x128xf32, #tpu.memory_space<hbm>> -> memref<200x128xf32, #tpu.memory_space<hbm>>
      %dma_wait3A_587 = arith.constant 0 : i32
      %dma_wait3A_588 = arith.constant 0 : i32
      %dma_wait3A_589 = tpu.memref_slice %arg6[%dma_wait3A_571, %dma_wait3A_587, %dma_wait3A_588] : memref<4x200x128xf32, #tpu.memory_space<vmem>> -> memref<1x200x128xf32, #tpu.memory_space<vmem>>
      %dma_wait3A_590 = tpu.memref_squeeze %dma_wait3A_589 : memref<1x200x128xf32, #tpu.memory_space<vmem>> -> memref<200x128xf32, #tpu.memory_space<vmem>>
      tpu.wait_dma2 semaphore(%dma_wait3A_582 : memref<!tpu.dma_semaphore, #tpu.memory_space<semaphore_mem>>) src(%dma_wait3A_590 : memref<200x128xf32, #tpu.memory_space<vmem>>) dst(%dma_wait3A_586 : memref<200x128xf32, #tpu.memory_space<hbm>>)
      %add3A_591 = arith.constant 4 : i32
      %add3A_592 = arith.addi %mul3A_354, %add3A_591 : i32
      %add3A_593 = arith.constant 1 : i32
      %add3A_594 = arith.addi %add3A_592, %add3A_593 : i32
      %mul3A_595 = arith.constant 200 : i32
      %mul3A_596 = arith.muli %add3A_594, %mul3A_595 : i32
      %dma_start3A_597 = arith.constant 1 : i32
      %dma_start3A_598 = arith.constant 1 : i32
      %dma_start3A_599 = arith.constant 0 : i32
      %dma_start3A_600 = arith.constant 0 : i32
      %dma_start3A_601 = tpu.memref_slice %arg6[%dma_start3A_597, %dma_start3A_599, %dma_start3A_600] : memref<4x200x128xf32, #tpu.memory_space<vmem>> -> memref<1x128x128xf32, #tpu.memory_space<vmem>>
      %dma_start3A_602 = tpu.memref_squeeze %dma_start3A_601 : memref<1x128x128xf32, #tpu.memory_space<vmem>> -> memref<128x128xf32, #tpu.memory_space<vmem>>
      %dma_start3A_603 = tpu.memref_slice %arg5[%mul3A_596] : memref<25600xi32, #tpu.memory_space<vmem>> -> memref<128xi32, #tpu.memory_space<vmem>>
      %dma_start3A_604 = arith.constant 0 : i32
      %dma_start3A_605 = arith.constant 0 : i32
      %dma_start3A_606 = tpu.memref_slice %arg2[%dma_start3A_604, %dma_start3A_605] : memref<1000000x128xf32, #tpu.memory_space<hbm>> -> memref<1000000x128xf32, #tpu.memory_space<hbm>>
      %dma_start3A_607 = tpu.memref_slice %arg7[%dma_start3A_598] : memref<4x!tpu.dma_semaphore, #tpu.memory_space<semaphore_mem>> -> memref<1x!tpu.dma_semaphore, #tpu.memory_space<semaphore_mem>>
      %dma_start3A_608 = tpu.memref_squeeze %dma_start3A_607 : memref<1x!tpu.dma_semaphore, #tpu.memory_space<semaphore_mem>> -> memref<!tpu.dma_semaphore, #tpu.memory_space<semaphore_mem>>
      tpu.enqueue_indirect_dma source(%dma_start3A_606 : memref<1000000x128xf32, #tpu.memory_space<hbm>>) target(%dma_start3A_602 : memref<128x128xf32, #tpu.memory_space<vmem>>) offsets(%dma_start3A_603 : memref<128xi32, #tpu.memory_space<vmem>>) semaphore(%dma_start3A_608 : memref<!tpu.dma_semaphore, #tpu.memory_space<semaphore_mem>>)
      %add3A_609 = arith.constant 128 : i32
      %add3A_610 = arith.addi %mul3A_596, %add3A_609 : i32
      %dma_start3A_611 = arith.constant 1 : i32
      %dma_start3A_612 = arith.constant 1 : i32
      %dma_start3A_613 = arith.constant 128 : i32
      %dma_start3A_614 = arith.constant 0 : i32
      %dma_start3A_615 = tpu.memref_slice %arg6[%dma_start3A_611, %dma_start3A_613, %dma_start3A_614] : memref<4x200x128xf32, #tpu.memory_space<vmem>> -> memref<1x72x128xf32, #tpu.memory_space<vmem>>
      %dma_start3A_616 = tpu.memref_squeeze %dma_start3A_615 : memref<1x72x128xf32, #tpu.memory_space<vmem>> -> memref<72x128xf32, #tpu.memory_space<vmem>>
      %dma_start3A_617 = tpu.memref_slice %arg5[%add3A_610] : memref<25600xi32, #tpu.memory_space<vmem>> -> memref<72xi32, #tpu.memory_space<vmem>>
      %dma_start3A_618 = arith.constant 0 : i32
      %dma_start3A_619 = arith.constant 0 : i32
      %dma_start3A_620 = tpu.memref_slice %arg2[%dma_start3A_618, %dma_start3A_619] : memref<1000000x128xf32, #tpu.memory_space<hbm>> -> memref<1000000x128xf32, #tpu.memory_space<hbm>>
      %dma_start3A_621 = tpu.memref_slice %arg7[%dma_start3A_612] : memref<4x!tpu.dma_semaphore, #tpu.memory_space<semaphore_mem>> -> memref<1x!tpu.dma_semaphore, #tpu.memory_space<semaphore_mem>>
      %dma_start3A_622 = tpu.memref_squeeze %dma_start3A_621 : memref<1x!tpu.dma_semaphore, #tpu.memory_space<semaphore_mem>> -> memref<!tpu.dma_semaphore, #tpu.memory_space<semaphore_mem>>
      tpu.enqueue_indirect_dma source(%dma_start3A_620 : memref<1000000x128xf32, #tpu.memory_space<hbm>>) target(%dma_start3A_616 : memref<72x128xf32, #tpu.memory_space<vmem>>) offsets(%dma_start3A_617 : memref<72xi32, #tpu.memory_space<vmem>>) semaphore(%dma_start3A_622 : memref<!tpu.dma_semaphore, #tpu.memory_space<semaphore_mem>>)
      %dma_wait3A_623 = arith.constant 2 : i32
      %dma_wait3A_624 = arith.constant 2 : i32
      %dma_wait3A_625 = arith.constant 0 : i32
      %dma_wait3A_626 = arith.constant 0 : i32
      %dma_wait3A_627 = tpu.memref_slice %arg6[%dma_wait3A_623, %dma_wait3A_625, %dma_wait3A_626] : memref<4x200x128xf32, #tpu.memory_space<vmem>> -> memref<1x200x128xf32, #tpu.memory_space<vmem>>
      %dma_wait3A_628 = tpu.memref_squeeze %dma_wait3A_627 : memref<1x200x128xf32, #tpu.memory_space<vmem>> -> memref<200x128xf32, #tpu.memory_space<vmem>>
      %dma_wait3A_629 = arith.constant 0 : i32
      %dma_wait3A_630 = arith.constant 0 : i32
      %dma_wait3A_631 = tpu.memref_slice %arg4[%mul3A_2, %dma_wait3A_629, %dma_wait3A_630] : memref<4096x200x128xf32, #tpu.memory_space<hbm>> -> memref<1x200x128xf32, #tpu.memory_space<hbm>>
      %dma_wait3A_632 = tpu.memref_squeeze %dma_wait3A_631 : memref<1x200x128xf32, #tpu.memory_space<hbm>> -> memref<200x128xf32, #tpu.memory_space<hbm>>
      %dma_wait3A_633 = tpu.memref_slice %arg8[%dma_wait3A_624] : memref<4x!tpu.dma_semaphore, #tpu.memory_space<semaphore_mem>> -> memref<1x!tpu.dma_semaphore, #tpu.memory_space<semaphore_mem>>
      %dma_wait3A_634 = tpu.memref_squeeze %dma_wait3A_633 : memref<1x!tpu.dma_semaphore, #tpu.memory_space<semaphore_mem>> -> memref<!tpu.dma_semaphore, #tpu.memory_space<semaphore_mem>>
      %dma_wait3A_635 = arith.constant 0 : i32
      %dma_wait3A_636 = arith.constant 0 : i32
      %dma_wait3A_637 = tpu.memref_slice %arg4[%mul3A_2, %dma_wait3A_635, %dma_wait3A_636] : memref<4096x200x128xf32, #tpu.memory_space<hbm>> -> memref<1x200x128xf32, #tpu.memory_space<hbm>>
      %dma_wait3A_638 = tpu.memref_squeeze %dma_wait3A_637 : memref<1x200x128xf32, #tpu.memory_space<hbm>> -> memref<200x128xf32, #tpu.memory_space<hbm>>
      %dma_wait3A_639 = arith.constant 0 : i32
      %dma_wait3A_640 = arith.constant 0 : i32
      %dma_wait3A_641 = tpu.memref_slice %arg6[%dma_wait3A_623, %dma_wait3A_639, %dma_wait3A_640] : memref<4x200x128xf32, #tpu.memory_space<vmem>> -> memref<1x200x128xf32, #tpu.memory_space<vmem>>
      %dma_wait3A_642 = tpu.memref_squeeze %dma_wait3A_641 : memref<1x200x128xf32, #tpu.memory_space<vmem>> -> memref<200x128xf32, #tpu.memory_space<vmem>>
      tpu.wait_dma2 semaphore(%dma_wait3A_634 : memref<!tpu.dma_semaphore, #tpu.memory_space<semaphore_mem>>) src(%dma_wait3A_642 : memref<200x128xf32, #tpu.memory_space<vmem>>) dst(%dma_wait3A_638 : memref<200x128xf32, #tpu.memory_space<hbm>>)
      %add3A_643 = arith.constant 4 : i32
      %add3A_644 = arith.addi %mul3A_354, %add3A_643 : i32
      %add3A_645 = arith.constant 2 : i32
      %add3A_646 = arith.addi %add3A_644, %add3A_645 : i32
      %mul3A_647 = arith.constant 200 : i32
      %mul3A_648 = arith.muli %add3A_646, %mul3A_647 : i32
      %dma_start3A_649 = arith.constant 2 : i32
      %dma_start3A_650 = arith.constant 2 : i32
      %dma_start3A_651 = arith.constant 0 : i32
      %dma_start3A_652 = arith.constant 0 : i32
      %dma_start3A_653 = tpu.memref_slice %arg6[%dma_start3A_649, %dma_start3A_651, %dma_start3A_652] : memref<4x200x128xf32, #tpu.memory_space<vmem>> -> memref<1x128x128xf32, #tpu.memory_space<vmem>>
      %dma_start3A_654 = tpu.memref_squeeze %dma_start3A_653 : memref<1x128x128xf32, #tpu.memory_space<vmem>> -> memref<128x128xf32, #tpu.memory_space<vmem>>
      %dma_start3A_655 = tpu.memref_slice %arg5[%mul3A_648] : memref<25600xi32, #tpu.memory_space<vmem>> -> memref<128xi32, #tpu.memory_space<vmem>>
      %dma_start3A_656 = arith.constant 0 : i32
      %dma_start3A_657 = arith.constant 0 : i32
      %dma_start3A_658 = tpu.memref_slice %arg2[%dma_start3A_656, %dma_start3A_657] : memref<1000000x128xf32, #tpu.memory_space<hbm>> -> memref<1000000x128xf32, #tpu.memory_space<hbm>>
      %dma_start3A_659 = tpu.memref_slice %arg7[%dma_start3A_650] : memref<4x!tpu.dma_semaphore, #tpu.memory_space<semaphore_mem>> -> memref<1x!tpu.dma_semaphore, #tpu.memory_space<semaphore_mem>>
      %dma_start3A_660 = tpu.memref_squeeze %dma_start3A_659 : memref<1x!tpu.dma_semaphore, #tpu.memory_space<semaphore_mem>> -> memref<!tpu.dma_semaphore, #tpu.memory_space<semaphore_mem>>
      tpu.enqueue_indirect_dma source(%dma_start3A_658 : memref<1000000x128xf32, #tpu.memory_space<hbm>>) target(%dma_start3A_654 : memref<128x128xf32, #tpu.memory_space<vmem>>) offsets(%dma_start3A_655 : memref<128xi32, #tpu.memory_space<vmem>>) semaphore(%dma_start3A_660 : memref<!tpu.dma_semaphore, #tpu.memory_space<semaphore_mem>>)
      %add3A_661 = arith.constant 128 : i32
      %add3A_662 = arith.addi %mul3A_648, %add3A_661 : i32
      %dma_start3A_663 = arith.constant 2 : i32
      %dma_start3A_664 = arith.constant 2 : i32
      %dma_start3A_665 = arith.constant 128 : i32
      %dma_start3A_666 = arith.constant 0 : i32
      %dma_start3A_667 = tpu.memref_slice %arg6[%dma_start3A_663, %dma_start3A_665, %dma_start3A_666] : memref<4x200x128xf32, #tpu.memory_space<vmem>> -> memref<1x72x128xf32, #tpu.memory_space<vmem>>
      %dma_start3A_668 = tpu.memref_squeeze %dma_start3A_667 : memref<1x72x128xf32, #tpu.memory_space<vmem>> -> memref<72x128xf32, #tpu.memory_space<vmem>>
      %dma_start3A_669 = tpu.memref_slice %arg5[%add3A_662] : memref<25600xi32, #tpu.memory_space<vmem>> -> memref<72xi32, #tpu.memory_space<vmem>>
      %dma_start3A_670 = arith.constant 0 : i32
      %dma_start3A_671 = arith.constant 0 : i32
      %dma_start3A_672 = tpu.memref_slice %arg2[%dma_start3A_670, %dma_start3A_671] : memref<1000000x128xf32, #tpu.memory_space<hbm>> -> memref<1000000x128xf32, #tpu.memory_space<hbm>>
      %dma_start3A_673 = tpu.memref_slice %arg7[%dma_start3A_664] : memref<4x!tpu.dma_semaphore, #tpu.memory_space<semaphore_mem>> -> memref<1x!tpu.dma_semaphore, #tpu.memory_space<semaphore_mem>>
      %dma_start3A_674 = tpu.memref_squeeze %dma_start3A_673 : memref<1x!tpu.dma_semaphore, #tpu.memory_space<semaphore_mem>> -> memref<!tpu.dma_semaphore, #tpu.memory_space<semaphore_mem>>
      tpu.enqueue_indirect_dma source(%dma_start3A_672 : memref<1000000x128xf32, #tpu.memory_space<hbm>>) target(%dma_start3A_668 : memref<72x128xf32, #tpu.memory_space<vmem>>) offsets(%dma_start3A_669 : memref<72xi32, #tpu.memory_space<vmem>>) semaphore(%dma_start3A_674 : memref<!tpu.dma_semaphore, #tpu.memory_space<semaphore_mem>>)
      %dma_wait3A_675 = arith.constant 3 : i32
      %dma_wait3A_676 = arith.constant 3 : i32
      %dma_wait3A_677 = arith.constant 0 : i32
      %dma_wait3A_678 = arith.constant 0 : i32
      %dma_wait3A_679 = tpu.memref_slice %arg6[%dma_wait3A_675, %dma_wait3A_677, %dma_wait3A_678] : memref<4x200x128xf32, #tpu.memory_space<vmem>> -> memref<1x200x128xf32, #tpu.memory_space<vmem>>
      %dma_wait3A_680 = tpu.memref_squeeze %dma_wait3A_679 : memref<1x200x128xf32, #tpu.memory_space<vmem>> -> memref<200x128xf32, #tpu.memory_space<vmem>>
      %dma_wait3A_681 = arith.constant 0 : i32
      %dma_wait3A_682 = arith.constant 0 : i32
      %dma_wait3A_683 = tpu.memref_slice %arg4[%mul3A_2, %dma_wait3A_681, %dma_wait3A_682] : memref<4096x200x128xf32, #tpu.memory_space<hbm>> -> memref<1x200x128xf32, #tpu.memory_space<hbm>>
      %dma_wait3A_684 = tpu.memref_squeeze %dma_wait3A_683 : memref<1x200x128xf32, #tpu.memory_space<hbm>> -> memref<200x128xf32, #tpu.memory_space<hbm>>
      %dma_wait3A_685 = tpu.memref_slice %arg8[%dma_wait3A_676] : memref<4x!tpu.dma_semaphore, #tpu.memory_space<semaphore_mem>> -> memref<1x!tpu.dma_semaphore, #tpu.memory_space<semaphore_mem>>
      %dma_wait3A_686 = tpu.memref_squeeze %dma_wait3A_685 : memref<1x!tpu.dma_semaphore, #tpu.memory_space<semaphore_mem>> -> memref<!tpu.dma_semaphore, #tpu.memory_space<semaphore_mem>>
      %dma_wait3A_687 = arith.constant 0 : i32
      %dma_wait3A_688 = arith.constant 0 : i32
      %dma_wait3A_689 = tpu.memref_slice %arg4[%mul3A_2, %dma_wait3A_687, %dma_wait3A_688] : memref<4096x200x128xf32, #tpu.memory_space<hbm>> -> memref<1x200x128xf32, #tpu.memory_space<hbm>>
      %dma_wait3A_690 = tpu.memref_squeeze %dma_wait3A_689 : memref<1x200x128xf32, #tpu.memory_space<hbm>> -> memref<200x128xf32, #tpu.memory_space<hbm>>
      %dma_wait3A_691 = arith.constant 0 : i32
      %dma_wait3A_692 = arith.constant 0 : i32
      %dma_wait3A_693 = tpu.memref_slice %arg6[%dma_wait3A_675, %dma_wait3A_691, %dma_wait3A_692] : memref<4x200x128xf32, #tpu.memory_space<vmem>> -> memref<1x200x128xf32, #tpu.memory_space<vmem>>
      %dma_wait3A_694 = tpu.memref_squeeze %dma_wait3A_693 : memref<1x200x128xf32, #tpu.memory_space<vmem>> -> memref<200x128xf32, #tpu.memory_space<vmem>>
      tpu.wait_dma2 semaphore(%dma_wait3A_686 : memref<!tpu.dma_semaphore, #tpu.memory_space<semaphore_mem>>) src(%dma_wait3A_694 : memref<200x128xf32, #tpu.memory_space<vmem>>) dst(%dma_wait3A_690 : memref<200x128xf32, #tpu.memory_space<hbm>>)
      %add3A_695 = arith.constant 4 : i32
      %add3A_696 = arith.addi %mul3A_354, %add3A_695 : i32
      %add3A_697 = arith.constant 3 : i32
      %add3A_698 = arith.addi %add3A_696, %add3A_697 : i32
      %mul3A_699 = arith.constant 200 : i32
      %mul3A_700 = arith.muli %add3A_698, %mul3A_699 : i32
      %dma_start3A_701 = arith.constant 3 : i32
      %dma_start3A_702 = arith.constant 3 : i32
      %dma_start3A_703 = arith.constant 0 : i32
      %dma_start3A_704 = arith.constant 0 : i32
      %dma_start3A_705 = tpu.memref_slice %arg6[%dma_start3A_701, %dma_start3A_703, %dma_start3A_704] : memref<4x200x128xf32, #tpu.memory_space<vmem>> -> memref<1x128x128xf32, #tpu.memory_space<vmem>>
      %dma_start3A_706 = tpu.memref_squeeze %dma_start3A_705 : memref<1x128x128xf32, #tpu.memory_space<vmem>> -> memref<128x128xf32, #tpu.memory_space<vmem>>
      %dma_start3A_707 = tpu.memref_slice %arg5[%mul3A_700] : memref<25600xi32, #tpu.memory_space<vmem>> -> memref<128xi32, #tpu.memory_space<vmem>>
      %dma_start3A_708 = arith.constant 0 : i32
      %dma_start3A_709 = arith.constant 0 : i32
      %dma_start3A_710 = tpu.memref_slice %arg2[%dma_start3A_708, %dma_start3A_709] : memref<1000000x128xf32, #tpu.memory_space<hbm>> -> memref<1000000x128xf32, #tpu.memory_space<hbm>>
      %dma_start3A_711 = tpu.memref_slice %arg7[%dma_start3A_702] : memref<4x!tpu.dma_semaphore, #tpu.memory_space<semaphore_mem>> -> memref<1x!tpu.dma_semaphore, #tpu.memory_space<semaphore_mem>>
      %dma_start3A_712 = tpu.memref_squeeze %dma_start3A_711 : memref<1x!tpu.dma_semaphore, #tpu.memory_space<semaphore_mem>> -> memref<!tpu.dma_semaphore, #tpu.memory_space<semaphore_mem>>
      tpu.enqueue_indirect_dma source(%dma_start3A_710 : memref<1000000x128xf32, #tpu.memory_space<hbm>>) target(%dma_start3A_706 : memref<128x128xf32, #tpu.memory_space<vmem>>) offsets(%dma_start3A_707 : memref<128xi32, #tpu.memory_space<vmem>>) semaphore(%dma_start3A_712 : memref<!tpu.dma_semaphore, #tpu.memory_space<semaphore_mem>>)
      %add3A_713 = arith.constant 128 : i32
      %add3A_714 = arith.addi %mul3A_700, %add3A_713 : i32
      %dma_start3A_715 = arith.constant 3 : i32
      %dma_start3A_716 = arith.constant 3 : i32
      %dma_start3A_717 = arith.constant 128 : i32
      %dma_start3A_718 = arith.constant 0 : i32
      %dma_start3A_719 = tpu.memref_slice %arg6[%dma_start3A_715, %dma_start3A_717, %dma_start3A_718] : memref<4x200x128xf32, #tpu.memory_space<vmem>> -> memref<1x72x128xf32, #tpu.memory_space<vmem>>
      %dma_start3A_720 = tpu.memref_squeeze %dma_start3A_719 : memref<1x72x128xf32, #tpu.memory_space<vmem>> -> memref<72x128xf32, #tpu.memory_space<vmem>>
      %dma_start3A_721 = tpu.memref_slice %arg5[%add3A_714] : memref<25600xi32, #tpu.memory_space<vmem>> -> memref<72xi32, #tpu.memory_space<vmem>>
      %dma_start3A_722 = arith.constant 0 : i32
      %dma_start3A_723 = arith.constant 0 : i32
      %dma_start3A_724 = tpu.memref_slice %arg2[%dma_start3A_722, %dma_start3A_723] : memref<1000000x128xf32, #tpu.memory_space<hbm>> -> memref<1000000x128xf32, #tpu.memory_space<hbm>>
      %dma_start3A_725 = tpu.memref_slice %arg7[%dma_start3A_716] : memref<4x!tpu.dma_semaphore, #tpu.memory_space<semaphore_mem>> -> memref<1x!tpu.dma_semaphore, #tpu.memory_space<semaphore_mem>>
      %dma_start3A_726 = tpu.memref_squeeze %dma_start3A_725 : memref<1x!tpu.dma_semaphore, #tpu.memory_space<semaphore_mem>> -> memref<!tpu.dma_semaphore, #tpu.memory_space<semaphore_mem>>
      tpu.enqueue_indirect_dma source(%dma_start3A_724 : memref<1000000x128xf32, #tpu.memory_space<hbm>>) target(%dma_start3A_720 : memref<72x128xf32, #tpu.memory_space<vmem>>) offsets(%dma_start3A_721 : memref<72xi32, #tpu.memory_space<vmem>>) semaphore(%dma_start3A_726 : memref<!tpu.dma_semaphore, #tpu.memory_space<semaphore_mem>>)
    }
    %scan3A_112 = arith.constant 31 : i32
    %dma_wait3A = arith.constant 0 : i32
    %dma_wait3A_113 = arith.constant 0 : i32
    %dma_wait3A_114 = arith.constant 0 : i32
    %dma_wait3A_115 = arith.constant 0 : i32
    %dma_wait3A_116 = tpu.memref_slice %arg6[%dma_wait3A, %dma_wait3A_114, %dma_wait3A_115] : memref<4x200x128xf32, #tpu.memory_space<vmem>> -> memref<1x200x128xf32, #tpu.memory_space<vmem>>
    %dma_wait3A_117 = tpu.memref_squeeze %dma_wait3A_116 : memref<1x200x128xf32, #tpu.memory_space<vmem>> -> memref<200x128xf32, #tpu.memory_space<vmem>>
    %dma_wait3A_118 = arith.constant 0 : i32
    %dma_wait3A_119 = arith.constant 0 : i32
    %dma_wait3A_120 = tpu.memref_slice %arg2[%dma_wait3A_118, %dma_wait3A_119] : memref<1000000x128xf32, #tpu.memory_space<hbm>> -> memref<200x128xf32, #tpu.memory_space<hbm>>
    %dma_wait3A_121 = tpu.memref_slice %arg7[%dma_wait3A_113] : memref<4x!tpu.dma_semaphore, #tpu.memory_space<semaphore_mem>> -> memref<1x!tpu.dma_semaphore, #tpu.memory_space<semaphore_mem>>
    %dma_wait3A_122 = tpu.memref_squeeze %dma_wait3A_121 : memref<1x!tpu.dma_semaphore, #tpu.memory_space<semaphore_mem>> -> memref<!tpu.dma_semaphore, #tpu.memory_space<semaphore_mem>>
    %dma_wait3A_123 = arith.constant 0 : i32
    %dma_wait3A_124 = arith.constant 0 : i32
    %dma_wait3A_125 = tpu.memref_slice %arg6[%dma_wait3A, %dma_wait3A_123, %dma_wait3A_124] : memref<4x200x128xf32, #tpu.memory_space<vmem>> -> memref<1x200x128xf32, #tpu.memory_space<vmem>>
    %dma_wait3A_126 = tpu.memref_squeeze %dma_wait3A_125 : memref<1x200x128xf32, #tpu.memory_space<vmem>> -> memref<200x128xf32, #tpu.memory_space<vmem>>
    %dma_wait3A_127 = arith.constant 0 : i32
    %dma_wait3A_128 = arith.constant 0 : i32
    %dma_wait3A_129 = tpu.memref_slice %arg2[%dma_wait3A_127, %dma_wait3A_128] : memref<1000000x128xf32, #tpu.memory_space<hbm>> -> memref<200x128xf32, #tpu.memory_space<hbm>>
    tpu.wait_dma2 semaphore(%dma_wait3A_122 : memref<!tpu.dma_semaphore, #tpu.memory_space<semaphore_mem>>) src(%dma_wait3A_129 : memref<200x128xf32, #tpu.memory_space<hbm>>) dst(%dma_wait3A_126 : memref<200x128xf32, #tpu.memory_space<vmem>>)
    %add3A_130 = arith.constant 124 : i32
    %add3A_131 = arith.addi %mul3A_2, %add3A_130 : i32
    %dma_start3A_132 = arith.constant 0 : i32
    %dma_start3A_133 = arith.constant 0 : i32
    %dma_start3A_134 = arith.constant 0 : i32
    %dma_start3A_135 = arith.constant 0 : i32
    %dma_start3A_136 = tpu.memref_slice %arg6[%dma_start3A_132, %dma_start3A_134, %dma_start3A_135] : memref<4x200x128xf32, #tpu.memory_space<vmem>> -> memref<1x200x128xf32, #tpu.memory_space<vmem>>
    %dma_start3A_137 = tpu.memref_squeeze %dma_start3A_136 : memref<1x200x128xf32, #tpu.memory_space<vmem>> -> memref<200x128xf32, #tpu.memory_space<vmem>>
    %dma_start3A_138 = arith.constant 0 : i32
    %dma_start3A_139 = arith.constant 0 : i32
    %dma_start3A_140 = tpu.memref_slice %arg4[%add3A_131, %dma_start3A_138, %dma_start3A_139] : memref<4096x200x128xf32, #tpu.memory_space<hbm>> -> memref<1x200x128xf32, #tpu.memory_space<hbm>>
    %dma_start3A_141 = tpu.memref_squeeze %dma_start3A_140 : memref<1x200x128xf32, #tpu.memory_space<hbm>> -> memref<200x128xf32, #tpu.memory_space<hbm>>
    %dma_start3A_142 = tpu.memref_slice %arg8[%dma_start3A_133] : memref<4x!tpu.dma_semaphore, #tpu.memory_space<semaphore_mem>> -> memref<1x!tpu.dma_semaphore, #tpu.memory_space<semaphore_mem>>
    %dma_start3A_143 = tpu.memref_squeeze %dma_start3A_142 : memref<1x!tpu.dma_semaphore, #tpu.memory_space<semaphore_mem>> -> memref<!tpu.dma_semaphore, #tpu.memory_space<semaphore_mem>>
    %dma_start3A_144 = arith.constant 0 : i32
    %dma_start3A_145 = arith.constant 0 : i32
    %dma_start3A_146 = tpu.memref_slice %arg4[%add3A_131, %dma_start3A_144, %dma_start3A_145] : memref<4096x200x128xf32, #tpu.memory_space<hbm>> -> memref<1x200x128xf32, #tpu.memory_space<hbm>>
    %dma_start3A_147 = tpu.memref_squeeze %dma_start3A_146 : memref<1x200x128xf32, #tpu.memory_space<hbm>> -> memref<200x128xf32, #tpu.memory_space<hbm>>
    %dma_start3A_148 = arith.constant 0 : i32
    %dma_start3A_149 = arith.constant 0 : i32
    %dma_start3A_150 = tpu.memref_slice %arg6[%dma_start3A_132, %dma_start3A_148, %dma_start3A_149] : memref<4x200x128xf32, #tpu.memory_space<vmem>> -> memref<1x200x128xf32, #tpu.memory_space<vmem>>
    %dma_start3A_151 = tpu.memref_squeeze %dma_start3A_150 : memref<1x200x128xf32, #tpu.memory_space<vmem>> -> memref<200x128xf32, #tpu.memory_space<vmem>>
    tpu.enqueue_dma source(%dma_start3A_151 : memref<200x128xf32, #tpu.memory_space<vmem>>) target(%dma_start3A_147 : memref<200x128xf32, #tpu.memory_space<hbm>>) target_semaphore(%dma_start3A_143 : memref<!tpu.dma_semaphore, #tpu.memory_space<semaphore_mem>>)
    %dma_wait3A_152 = arith.constant 1 : i32
    %dma_wait3A_153 = arith.constant 1 : i32
    %dma_wait3A_154 = arith.constant 0 : i32
    %dma_wait3A_155 = arith.constant 0 : i32
    %dma_wait3A_156 = tpu.memref_slice %arg6[%dma_wait3A_152, %dma_wait3A_154, %dma_wait3A_155] : memref<4x200x128xf32, #tpu.memory_space<vmem>> -> memref<1x200x128xf32, #tpu.memory_space<vmem>>
    %dma_wait3A_157 = tpu.memref_squeeze %dma_wait3A_156 : memref<1x200x128xf32, #tpu.memory_space<vmem>> -> memref<200x128xf32, #tpu.memory_space<vmem>>
    %dma_wait3A_158 = arith.constant 0 : i32
    %dma_wait3A_159 = arith.constant 0 : i32
    %dma_wait3A_160 = tpu.memref_slice %arg2[%dma_wait3A_158, %dma_wait3A_159] : memref<1000000x128xf32, #tpu.memory_space<hbm>> -> memref<200x128xf32, #tpu.memory_space<hbm>>
    %dma_wait3A_161 = tpu.memref_slice %arg7[%dma_wait3A_153] : memref<4x!tpu.dma_semaphore, #tpu.memory_space<semaphore_mem>> -> memref<1x!tpu.dma_semaphore, #tpu.memory_space<semaphore_mem>>
    %dma_wait3A_162 = tpu.memref_squeeze %dma_wait3A_161 : memref<1x!tpu.dma_semaphore, #tpu.memory_space<semaphore_mem>> -> memref<!tpu.dma_semaphore, #tpu.memory_space<semaphore_mem>>
    %dma_wait3A_163 = arith.constant 0 : i32
    %dma_wait3A_164 = arith.constant 0 : i32
    %dma_wait3A_165 = tpu.memref_slice %arg6[%dma_wait3A_152, %dma_wait3A_163, %dma_wait3A_164] : memref<4x200x128xf32, #tpu.memory_space<vmem>> -> memref<1x200x128xf32, #tpu.memory_space<vmem>>
    %dma_wait3A_166 = tpu.memref_squeeze %dma_wait3A_165 : memref<1x200x128xf32, #tpu.memory_space<vmem>> -> memref<200x128xf32, #tpu.memory_space<vmem>>
    %dma_wait3A_167 = arith.constant 0 : i32
    %dma_wait3A_168 = arith.constant 0 : i32
    %dma_wait3A_169 = tpu.memref_slice %arg2[%dma_wait3A_167, %dma_wait3A_168] : memref<1000000x128xf32, #tpu.memory_space<hbm>> -> memref<200x128xf32, #tpu.memory_space<hbm>>
    tpu.wait_dma2 semaphore(%dma_wait3A_162 : memref<!tpu.dma_semaphore, #tpu.memory_space<semaphore_mem>>) src(%dma_wait3A_169 : memref<200x128xf32, #tpu.memory_space<hbm>>) dst(%dma_wait3A_166 : memref<200x128xf32, #tpu.memory_space<vmem>>)
    %add3A_170 = arith.constant 125 : i32
    %add3A_171 = arith.addi %mul3A_2, %add3A_170 : i32
    %dma_start3A_172 = arith.constant 1 : i32
    %dma_start3A_173 = arith.constant 1 : i32
    %dma_start3A_174 = arith.constant 0 : i32
    %dma_start3A_175 = arith.constant 0 : i32
    %dma_start3A_176 = tpu.memref_slice %arg6[%dma_start3A_172, %dma_start3A_174, %dma_start3A_175] : memref<4x200x128xf32, #tpu.memory_space<vmem>> -> memref<1x200x128xf32, #tpu.memory_space<vmem>>
    %dma_start3A_177 = tpu.memref_squeeze %dma_start3A_176 : memref<1x200x128xf32, #tpu.memory_space<vmem>> -> memref<200x128xf32, #tpu.memory_space<vmem>>
    %dma_start3A_178 = arith.constant 0 : i32
    %dma_start3A_179 = arith.constant 0 : i32
    %dma_start3A_180 = tpu.memref_slice %arg4[%add3A_171, %dma_start3A_178, %dma_start3A_179] : memref<4096x200x128xf32, #tpu.memory_space<hbm>> -> memref<1x200x128xf32, #tpu.memory_space<hbm>>
    %dma_start3A_181 = tpu.memref_squeeze %dma_start3A_180 : memref<1x200x128xf32, #tpu.memory_space<hbm>> -> memref<200x128xf32, #tpu.memory_space<hbm>>
    %dma_start3A_182 = tpu.memref_slice %arg8[%dma_start3A_173] : memref<4x!tpu.dma_semaphore, #tpu.memory_space<semaphore_mem>> -> memref<1x!tpu.dma_semaphore, #tpu.memory_space<semaphore_mem>>
    %dma_start3A_183 = tpu.memref_squeeze %dma_start3A_182 : memref<1x!tpu.dma_semaphore, #tpu.memory_space<semaphore_mem>> -> memref<!tpu.dma_semaphore, #tpu.memory_space<semaphore_mem>>
    %dma_start3A_184 = arith.constant 0 : i32
    %dma_start3A_185 = arith.constant 0 : i32
    %dma_start3A_186 = tpu.memref_slice %arg4[%add3A_171, %dma_start3A_184, %dma_start3A_185] : memref<4096x200x128xf32, #tpu.memory_space<hbm>> -> memref<1x200x128xf32, #tpu.memory_space<hbm>>
    %dma_start3A_187 = tpu.memref_squeeze %dma_start3A_186 : memref<1x200x128xf32, #tpu.memory_space<hbm>> -> memref<200x128xf32, #tpu.memory_space<hbm>>
    %dma_start3A_188 = arith.constant 0 : i32
    %dma_start3A_189 = arith.constant 0 : i32
    %dma_start3A_190 = tpu.memref_slice %arg6[%dma_start3A_172, %dma_start3A_188, %dma_start3A_189] : memref<4x200x128xf32, #tpu.memory_space<vmem>> -> memref<1x200x128xf32, #tpu.memory_space<vmem>>
    %dma_start3A_191 = tpu.memref_squeeze %dma_start3A_190 : memref<1x200x128xf32, #tpu.memory_space<vmem>> -> memref<200x128xf32, #tpu.memory_space<vmem>>
    tpu.enqueue_dma source(%dma_start3A_191 : memref<200x128xf32, #tpu.memory_space<vmem>>) target(%dma_start3A_187 : memref<200x128xf32, #tpu.memory_space<hbm>>) target_semaphore(%dma_start3A_183 : memref<!tpu.dma_semaphore, #tpu.memory_space<semaphore_mem>>)
    %dma_wait3A_192 = arith.constant 2 : i32
    %dma_wait3A_193 = arith.constant 2 : i32
    %dma_wait3A_194 = arith.constant 0 : i32
    %dma_wait3A_195 = arith.constant 0 : i32
    %dma_wait3A_196 = tpu.memref_slice %arg6[%dma_wait3A_192, %dma_wait3A_194, %dma_wait3A_195] : memref<4x200x128xf32, #tpu.memory_space<vmem>> -> memref<1x200x128xf32, #tpu.memory_space<vmem>>
    %dma_wait3A_197 = tpu.memref_squeeze %dma_wait3A_196 : memref<1x200x128xf32, #tpu.memory_space<vmem>> -> memref<200x128xf32, #tpu.memory_space<vmem>>
    %dma_wait3A_198 = arith.constant 0 : i32
    %dma_wait3A_199 = arith.constant 0 : i32
    %dma_wait3A_200 = tpu.memref_slice %arg2[%dma_wait3A_198, %dma_wait3A_199] : memref<1000000x128xf32, #tpu.memory_space<hbm>> -> memref<200x128xf32, #tpu.memory_space<hbm>>
    %dma_wait3A_201 = tpu.memref_slice %arg7[%dma_wait3A_193] : memref<4x!tpu.dma_semaphore, #tpu.memory_space<semaphore_mem>> -> memref<1x!tpu.dma_semaphore, #tpu.memory_space<semaphore_mem>>
    %dma_wait3A_202 = tpu.memref_squeeze %dma_wait3A_201 : memref<1x!tpu.dma_semaphore, #tpu.memory_space<semaphore_mem>> -> memref<!tpu.dma_semaphore, #tpu.memory_space<semaphore_mem>>
    %dma_wait3A_203 = arith.constant 0 : i32
    %dma_wait3A_204 = arith.constant 0 : i32
    %dma_wait3A_205 = tpu.memref_slice %arg6[%dma_wait3A_192, %dma_wait3A_203, %dma_wait3A_204] : memref<4x200x128xf32, #tpu.memory_space<vmem>> -> memref<1x200x128xf32, #tpu.memory_space<vmem>>
    %dma_wait3A_206 = tpu.memref_squeeze %dma_wait3A_205 : memref<1x200x128xf32, #tpu.memory_space<vmem>> -> memref<200x128xf32, #tpu.memory_space<vmem>>
    %dma_wait3A_207 = arith.constant 0 : i32
    %dma_wait3A_208 = arith.constant 0 : i32
    %dma_wait3A_209 = tpu.memref_slice %arg2[%dma_wait3A_207, %dma_wait3A_208] : memref<1000000x128xf32, #tpu.memory_space<hbm>> -> memref<200x128xf32, #tpu.memory_space<hbm>>
    tpu.wait_dma2 semaphore(%dma_wait3A_202 : memref<!tpu.dma_semaphore, #tpu.memory_space<semaphore_mem>>) src(%dma_wait3A_209 : memref<200x128xf32, #tpu.memory_space<hbm>>) dst(%dma_wait3A_206 : memref<200x128xf32, #tpu.memory_space<vmem>>)
    %add3A_210 = arith.constant 126 : i32
    %add3A_211 = arith.addi %mul3A_2, %add3A_210 : i32
    %dma_start3A_212 = arith.constant 2 : i32
    %dma_start3A_213 = arith.constant 2 : i32
    %dma_start3A_214 = arith.constant 0 : i32
    %dma_start3A_215 = arith.constant 0 : i32
    %dma_start3A_216 = tpu.memref_slice %arg6[%dma_start3A_212, %dma_start3A_214, %dma_start3A_215] : memref<4x200x128xf32, #tpu.memory_space<vmem>> -> memref<1x200x128xf32, #tpu.memory_space<vmem>>
    %dma_start3A_217 = tpu.memref_squeeze %dma_start3A_216 : memref<1x200x128xf32, #tpu.memory_space<vmem>> -> memref<200x128xf32, #tpu.memory_space<vmem>>
    %dma_start3A_218 = arith.constant 0 : i32
    %dma_start3A_219 = arith.constant 0 : i32
    %dma_start3A_220 = tpu.memref_slice %arg4[%add3A_211, %dma_start3A_218, %dma_start3A_219] : memref<4096x200x128xf32, #tpu.memory_space<hbm>> -> memref<1x200x128xf32, #tpu.memory_space<hbm>>
    %dma_start3A_221 = tpu.memref_squeeze %dma_start3A_220 : memref<1x200x128xf32, #tpu.memory_space<hbm>> -> memref<200x128xf32, #tpu.memory_space<hbm>>
    %dma_start3A_222 = tpu.memref_slice %arg8[%dma_start3A_213] : memref<4x!tpu.dma_semaphore, #tpu.memory_space<semaphore_mem>> -> memref<1x!tpu.dma_semaphore, #tpu.memory_space<semaphore_mem>>
    %dma_start3A_223 = tpu.memref_squeeze %dma_start3A_222 : memref<1x!tpu.dma_semaphore, #tpu.memory_space<semaphore_mem>> -> memref<!tpu.dma_semaphore, #tpu.memory_space<semaphore_mem>>
    %dma_start3A_224 = arith.constant 0 : i32
    %dma_start3A_225 = arith.constant 0 : i32
    %dma_start3A_226 = tpu.memref_slice %arg4[%add3A_211, %dma_start3A_224, %dma_start3A_225] : memref<4096x200x128xf32, #tpu.memory_space<hbm>> -> memref<1x200x128xf32, #tpu.memory_space<hbm>>
    %dma_start3A_227 = tpu.memref_squeeze %dma_start3A_226 : memref<1x200x128xf32, #tpu.memory_space<hbm>> -> memref<200x128xf32, #tpu.memory_space<hbm>>
    %dma_start3A_228 = arith.constant 0 : i32
    %dma_start3A_229 = arith.constant 0 : i32
    %dma_start3A_230 = tpu.memref_slice %arg6[%dma_start3A_212, %dma_start3A_228, %dma_start3A_229] : memref<4x200x128xf32, #tpu.memory_space<vmem>> -> memref<1x200x128xf32, #tpu.memory_space<vmem>>
    %dma_start3A_231 = tpu.memref_squeeze %dma_start3A_230 : memref<1x200x128xf32, #tpu.memory_space<vmem>> -> memref<200x128xf32, #tpu.memory_space<vmem>>
    tpu.enqueue_dma source(%dma_start3A_231 : memref<200x128xf32, #tpu.memory_space<vmem>>) target(%dma_start3A_227 : memref<200x128xf32, #tpu.memory_space<hbm>>) target_semaphore(%dma_start3A_223 : memref<!tpu.dma_semaphore, #tpu.memory_space<semaphore_mem>>)
    %dma_wait3A_232 = arith.constant 3 : i32
    %dma_wait3A_233 = arith.constant 3 : i32
    %dma_wait3A_234 = arith.constant 0 : i32
    %dma_wait3A_235 = arith.constant 0 : i32
    %dma_wait3A_236 = tpu.memref_slice %arg6[%dma_wait3A_232, %dma_wait3A_234, %dma_wait3A_235] : memref<4x200x128xf32, #tpu.memory_space<vmem>> -> memref<1x200x128xf32, #tpu.memory_space<vmem>>
    %dma_wait3A_237 = tpu.memref_squeeze %dma_wait3A_236 : memref<1x200x128xf32, #tpu.memory_space<vmem>> -> memref<200x128xf32, #tpu.memory_space<vmem>>
    %dma_wait3A_238 = arith.constant 0 : i32
    %dma_wait3A_239 = arith.constant 0 : i32
    %dma_wait3A_240 = tpu.memref_slice %arg2[%dma_wait3A_238, %dma_wait3A_239] : memref<1000000x128xf32, #tpu.memory_space<hbm>> -> memref<200x128xf32, #tpu.memory_space<hbm>>
    %dma_wait3A_241 = tpu.memref_slice %arg7[%dma_wait3A_233] : memref<4x!tpu.dma_semaphore, #tpu.memory_space<semaphore_mem>> -> memref<1x!tpu.dma_semaphore, #tpu.memory_space<semaphore_mem>>
    %dma_wait3A_242 = tpu.memref_squeeze %dma_wait3A_241 : memref<1x!tpu.dma_semaphore, #tpu.memory_space<semaphore_mem>> -> memref<!tpu.dma_semaphore, #tpu.memory_space<semaphore_mem>>
    %dma_wait3A_243 = arith.constant 0 : i32
    %dma_wait3A_244 = arith.constant 0 : i32
    %dma_wait3A_245 = tpu.memref_slice %arg6[%dma_wait3A_232, %dma_wait3A_243, %dma_wait3A_244] : memref<4x200x128xf32, #tpu.memory_space<vmem>> -> memref<1x200x128xf32, #tpu.memory_space<vmem>>
    %dma_wait3A_246 = tpu.memref_squeeze %dma_wait3A_245 : memref<1x200x128xf32, #tpu.memory_space<vmem>> -> memref<200x128xf32, #tpu.memory_space<vmem>>
    %dma_wait3A_247 = arith.constant 0 : i32
    %dma_wait3A_248 = arith.constant 0 : i32
    %dma_wait3A_249 = tpu.memref_slice %arg2[%dma_wait3A_247, %dma_wait3A_248] : memref<1000000x128xf32, #tpu.memory_space<hbm>> -> memref<200x128xf32, #tpu.memory_space<hbm>>
    tpu.wait_dma2 semaphore(%dma_wait3A_242 : memref<!tpu.dma_semaphore, #tpu.memory_space<semaphore_mem>>) src(%dma_wait3A_249 : memref<200x128xf32, #tpu.memory_space<hbm>>) dst(%dma_wait3A_246 : memref<200x128xf32, #tpu.memory_space<vmem>>)
    %add3A_250 = arith.constant 127 : i32
    %add3A_251 = arith.addi %mul3A_2, %add3A_250 : i32
    %dma_start3A_252 = arith.constant 3 : i32
    %dma_start3A_253 = arith.constant 3 : i32
    %dma_start3A_254 = arith.constant 0 : i32
    %dma_start3A_255 = arith.constant 0 : i32
    %dma_start3A_256 = tpu.memref_slice %arg6[%dma_start3A_252, %dma_start3A_254, %dma_start3A_255] : memref<4x200x128xf32, #tpu.memory_space<vmem>> -> memref<1x200x128xf32, #tpu.memory_space<vmem>>
    %dma_start3A_257 = tpu.memref_squeeze %dma_start3A_256 : memref<1x200x128xf32, #tpu.memory_space<vmem>> -> memref<200x128xf32, #tpu.memory_space<vmem>>
    %dma_start3A_258 = arith.constant 0 : i32
    %dma_start3A_259 = arith.constant 0 : i32
    %dma_start3A_260 = tpu.memref_slice %arg4[%add3A_251, %dma_start3A_258, %dma_start3A_259] : memref<4096x200x128xf32, #tpu.memory_space<hbm>> -> memref<1x200x128xf32, #tpu.memory_space<hbm>>
    %dma_start3A_261 = tpu.memref_squeeze %dma_start3A_260 : memref<1x200x128xf32, #tpu.memory_space<hbm>> -> memref<200x128xf32, #tpu.memory_space<hbm>>
    %dma_start3A_262 = tpu.memref_slice %arg8[%dma_start3A_253] : memref<4x!tpu.dma_semaphore, #tpu.memory_space<semaphore_mem>> -> memref<1x!tpu.dma_semaphore, #tpu.memory_space<semaphore_mem>>
    %dma_start3A_263 = tpu.memref_squeeze %dma_start3A_262 : memref<1x!tpu.dma_semaphore, #tpu.memory_space<semaphore_mem>> -> memref<!tpu.dma_semaphore, #tpu.memory_space<semaphore_mem>>
    %dma_start3A_264 = arith.constant 0 : i32
    %dma_start3A_265 = arith.constant 0 : i32
    %dma_start3A_266 = tpu.memref_slice %arg4[%add3A_251, %dma_start3A_264, %dma_start3A_265] : memref<4096x200x128xf32, #tpu.memory_space<hbm>> -> memref<1x200x128xf32, #tpu.memory_space<hbm>>
    %dma_start3A_267 = tpu.memref_squeeze %dma_start3A_266 : memref<1x200x128xf32, #tpu.memory_space<hbm>> -> memref<200x128xf32, #tpu.memory_space<hbm>>
    %dma_start3A_268 = arith.constant 0 : i32
    %dma_start3A_269 = arith.constant 0 : i32
    %dma_start3A_270 = tpu.memref_slice %arg6[%dma_start3A_252, %dma_start3A_268, %dma_start3A_269] : memref<4x200x128xf32, #tpu.memory_space<vmem>> -> memref<1x200x128xf32, #tpu.memory_space<vmem>>
    %dma_start3A_271 = tpu.memref_squeeze %dma_start3A_270 : memref<1x200x128xf32, #tpu.memory_space<vmem>> -> memref<200x128xf32, #tpu.memory_space<vmem>>
    tpu.enqueue_dma source(%dma_start3A_271 : memref<200x128xf32, #tpu.memory_space<vmem>>) target(%dma_start3A_267 : memref<200x128xf32, #tpu.memory_space<hbm>>) target_semaphore(%dma_start3A_263 : memref<!tpu.dma_semaphore, #tpu.memory_space<semaphore_mem>>)
    %dma_wait3A_272 = arith.constant 0 : i32
    %dma_wait3A_273 = arith.constant 0 : i32
    %dma_wait3A_274 = arith.constant 0 : i32
    %dma_wait3A_275 = arith.constant 0 : i32
    %dma_wait3A_276 = tpu.memref_slice %arg6[%dma_wait3A_272, %dma_wait3A_274, %dma_wait3A_275] : memref<4x200x128xf32, #tpu.memory_space<vmem>> -> memref<1x200x128xf32, #tpu.memory_space<vmem>>
    %dma_wait3A_277 = tpu.memref_squeeze %dma_wait3A_276 : memref<1x200x128xf32, #tpu.memory_space<vmem>> -> memref<200x128xf32, #tpu.memory_space<vmem>>
    %dma_wait3A_278 = arith.constant 0 : i32
    %dma_wait3A_279 = arith.constant 0 : i32
    %dma_wait3A_280 = tpu.memref_slice %arg4[%mul3A_2, %dma_wait3A_278, %dma_wait3A_279] : memref<4096x200x128xf32, #tpu.memory_space<hbm>> -> memref<1x200x128xf32, #tpu.memory_space<hbm>>
    %dma_wait3A_281 = tpu.memref_squeeze %dma_wait3A_280 : memref<1x200x128xf32, #tpu.memory_space<hbm>> -> memref<200x128xf32, #tpu.memory_space<hbm>>
    %dma_wait3A_282 = tpu.memref_slice %arg8[%dma_wait3A_273] : memref<4x!tpu.dma_semaphore, #tpu.memory_space<semaphore_mem>> -> memref<1x!tpu.dma_semaphore, #tpu.memory_space<semaphore_mem>>
    %dma_wait3A_283 = tpu.memref_squeeze %dma_wait3A_282 : memref<1x!tpu.dma_semaphore, #tpu.memory_space<semaphore_mem>> -> memref<!tpu.dma_semaphore, #tpu.memory_space<semaphore_mem>>
    %dma_wait3A_284 = arith.constant 0 : i32
    %dma_wait3A_285 = arith.constant 0 : i32
    %dma_wait3A_286 = tpu.memref_slice %arg4[%mul3A_2, %dma_wait3A_284, %dma_wait3A_285] : memref<4096x200x128xf32, #tpu.memory_space<hbm>> -> memref<1x200x128xf32, #tpu.memory_space<hbm>>
    %dma_wait3A_287 = tpu.memref_squeeze %dma_wait3A_286 : memref<1x200x128xf32, #tpu.memory_space<hbm>> -> memref<200x128xf32, #tpu.memory_space<hbm>>
    %dma_wait3A_288 = arith.constant 0 : i32
    %dma_wait3A_289 = arith.constant 0 : i32
    %dma_wait3A_290 = tpu.memref_slice %arg6[%dma_wait3A_272, %dma_wait3A_288, %dma_wait3A_289] : memref<4x200x128xf32, #tpu.memory_space<vmem>> -> memref<1x200x128xf32, #tpu.memory_space<vmem>>
    %dma_wait3A_291 = tpu.memref_squeeze %dma_wait3A_290 : memref<1x200x128xf32, #tpu.memory_space<vmem>> -> memref<200x128xf32, #tpu.memory_space<vmem>>
    tpu.wait_dma2 semaphore(%dma_wait3A_283 : memref<!tpu.dma_semaphore, #tpu.memory_space<semaphore_mem>>) src(%dma_wait3A_291 : memref<200x128xf32, #tpu.memory_space<vmem>>) dst(%dma_wait3A_287 : memref<200x128xf32, #tpu.memory_space<hbm>>)
    %dma_wait3A_292 = arith.constant 1 : i32
    %dma_wait3A_293 = arith.constant 1 : i32
    %dma_wait3A_294 = arith.constant 0 : i32
    %dma_wait3A_295 = arith.constant 0 : i32
    %dma_wait3A_296 = tpu.memref_slice %arg6[%dma_wait3A_292, %dma_wait3A_294, %dma_wait3A_295] : memref<4x200x128xf32, #tpu.memory_space<vmem>> -> memref<1x200x128xf32, #tpu.memory_space<vmem>>
    %dma_wait3A_297 = tpu.memref_squeeze %dma_wait3A_296 : memref<1x200x128xf32, #tpu.memory_space<vmem>> -> memref<200x128xf32, #tpu.memory_space<vmem>>
    %dma_wait3A_298 = arith.constant 0 : i32
    %dma_wait3A_299 = arith.constant 0 : i32
    %dma_wait3A_300 = tpu.memref_slice %arg4[%mul3A_2, %dma_wait3A_298, %dma_wait3A_299] : memref<4096x200x128xf32, #tpu.memory_space<hbm>> -> memref<1x200x128xf32, #tpu.memory_space<hbm>>
    %dma_wait3A_301 = tpu.memref_squeeze %dma_wait3A_300 : memref<1x200x128xf32, #tpu.memory_space<hbm>> -> memref<200x128xf32, #tpu.memory_space<hbm>>
    %dma_wait3A_302 = tpu.memref_slice %arg8[%dma_wait3A_293] : memref<4x!tpu.dma_semaphore, #tpu.memory_space<semaphore_mem>> -> memref<1x!tpu.dma_semaphore, #tpu.memory_space<semaphore_mem>>
    %dma_wait3A_303 = tpu.memref_squeeze %dma_wait3A_302 : memref<1x!tpu.dma_semaphore, #tpu.memory_space<semaphore_mem>> -> memref<!tpu.dma_semaphore, #tpu.memory_space<semaphore_mem>>
    %dma_wait3A_304 = arith.constant 0 : i32
    %dma_wait3A_305 = arith.constant 0 : i32
    %dma_wait3A_306 = tpu.memref_slice %arg4[%mul3A_2, %dma_wait3A_304, %dma_wait3A_305] : memref<4096x200x128xf32, #tpu.memory_space<hbm>> -> memref<1x200x128xf32, #tpu.memory_space<hbm>>
    %dma_wait3A_307 = tpu.memref_squeeze %dma_wait3A_306 : memref<1x200x128xf32, #tpu.memory_space<hbm>> -> memref<200x128xf32, #tpu.memory_space<hbm>>
    %dma_wait3A_308 = arith.constant 0 : i32
    %dma_wait3A_309 = arith.constant 0 : i32
    %dma_wait3A_310 = tpu.memref_slice %arg6[%dma_wait3A_292, %dma_wait3A_308, %dma_wait3A_309] : memref<4x200x128xf32, #tpu.memory_space<vmem>> -> memref<1x200x128xf32, #tpu.memory_space<vmem>>
    %dma_wait3A_311 = tpu.memref_squeeze %dma_wait3A_310 : memref<1x200x128xf32, #tpu.memory_space<vmem>> -> memref<200x128xf32, #tpu.memory_space<vmem>>
    tpu.wait_dma2 semaphore(%dma_wait3A_303 : memref<!tpu.dma_semaphore, #tpu.memory_space<semaphore_mem>>) src(%dma_wait3A_311 : memref<200x128xf32, #tpu.memory_space<vmem>>) dst(%dma_wait3A_307 : memref<200x128xf32, #tpu.memory_space<hbm>>)
    %dma_wait3A_312 = arith.constant 2 : i32
    %dma_wait3A_313 = arith.constant 2 : i32
    %dma_wait3A_314 = arith.constant 0 : i32
    %dma_wait3A_315 = arith.constant 0 : i32
    %dma_wait3A_316 = tpu.memref_slice %arg6[%dma_wait3A_312, %dma_wait3A_314, %dma_wait3A_315] : memref<4x200x128xf32, #tpu.memory_space<vmem>> -> memref<1x200x128xf32, #tpu.memory_space<vmem>>
    %dma_wait3A_317 = tpu.memref_squeeze %dma_wait3A_316 : memref<1x200x128xf32, #tpu.memory_space<vmem>> -> memref<200x128xf32, #tpu.memory_space<vmem>>
    %dma_wait3A_318 = arith.constant 0 : i32
    %dma_wait3A_319 = arith.constant 0 : i32
    %dma_wait3A_320 = tpu.memref_slice %arg4[%mul3A_2, %dma_wait3A_318, %dma_wait3A_319] : memref<4096x200x128xf32, #tpu.memory_space<hbm>> -> memref<1x200x128xf32, #tpu.memory_space<hbm>>
    %dma_wait3A_321 = tpu.memref_squeeze %dma_wait3A_320 : memref<1x200x128xf32, #tpu.memory_space<hbm>> -> memref<200x128xf32, #tpu.memory_space<hbm>>
    %dma_wait3A_322 = tpu.memref_slice %arg8[%dma_wait3A_313] : memref<4x!tpu.dma_semaphore, #tpu.memory_space<semaphore_mem>> -> memref<1x!tpu.dma_semaphore, #tpu.memory_space<semaphore_mem>>
    %dma_wait3A_323 = tpu.memref_squeeze %dma_wait3A_322 : memref<1x!tpu.dma_semaphore, #tpu.memory_space<semaphore_mem>> -> memref<!tpu.dma_semaphore, #tpu.memory_space<semaphore_mem>>
    %dma_wait3A_324 = arith.constant 0 : i32
    %dma_wait3A_325 = arith.constant 0 : i32
    %dma_wait3A_326 = tpu.memref_slice %arg4[%mul3A_2, %dma_wait3A_324, %dma_wait3A_325] : memref<4096x200x128xf32, #tpu.memory_space<hbm>> -> memref<1x200x128xf32, #tpu.memory_space<hbm>>
    %dma_wait3A_327 = tpu.memref_squeeze %dma_wait3A_326 : memref<1x200x128xf32, #tpu.memory_space<hbm>> -> memref<200x128xf32, #tpu.memory_space<hbm>>
    %dma_wait3A_328 = arith.constant 0 : i32
    %dma_wait3A_329 = arith.constant 0 : i32
    %dma_wait3A_330 = tpu.memref_slice %arg6[%dma_wait3A_312, %dma_wait3A_328, %dma_wait3A_329] : memref<4x200x128xf32, #tpu.memory_space<vmem>> -> memref<1x200x128xf32, #tpu.memory_space<vmem>>
    %dma_wait3A_331 = tpu.memref_squeeze %dma_wait3A_330 : memref<1x200x128xf32, #tpu.memory_space<vmem>> -> memref<200x128xf32, #tpu.memory_space<vmem>>
    tpu.wait_dma2 semaphore(%dma_wait3A_323 : memref<!tpu.dma_semaphore, #tpu.memory_space<semaphore_mem>>) src(%dma_wait3A_331 : memref<200x128xf32, #tpu.memory_space<vmem>>) dst(%dma_wait3A_327 : memref<200x128xf32, #tpu.memory_space<hbm>>)
    %dma_wait3A_332 = arith.constant 3 : i32
    %dma_wait3A_333 = arith.constant 3 : i32
    %dma_wait3A_334 = arith.constant 0 : i32
    %dma_wait3A_335 = arith.constant 0 : i32
    %dma_wait3A_336 = tpu.memref_slice %arg6[%dma_wait3A_332, %dma_wait3A_334, %dma_wait3A_335] : memref<4x200x128xf32, #tpu.memory_space<vmem>> -> memref<1x200x128xf32, #tpu.memory_space<vmem>>
    %dma_wait3A_337 = tpu.memref_squeeze %dma_wait3A_336 : memref<1x200x128xf32, #tpu.memory_space<vmem>> -> memref<200x128xf32, #tpu.memory_space<vmem>>
    %dma_wait3A_338 = arith.constant 0 : i32
    %dma_wait3A_339 = arith.constant 0 : i32
    %dma_wait3A_340 = tpu.memref_slice %arg4[%mul3A_2, %dma_wait3A_338, %dma_wait3A_339] : memref<4096x200x128xf32, #tpu.memory_space<hbm>> -> memref<1x200x128xf32, #tpu.memory_space<hbm>>
    %dma_wait3A_341 = tpu.memref_squeeze %dma_wait3A_340 : memref<1x200x128xf32, #tpu.memory_space<hbm>> -> memref<200x128xf32, #tpu.memory_space<hbm>>
    %dma_wait3A_342 = tpu.memref_slice %arg8[%dma_wait3A_333] : memref<4x!tpu.dma_semaphore, #tpu.memory_space<semaphore_mem>> -> memref<1x!tpu.dma_semaphore, #tpu.memory_space<semaphore_mem>>
    %dma_wait3A_343 = tpu.memref_squeeze %dma_wait3A_342 : memref<1x!tpu.dma_semaphore, #tpu.memory_space<semaphore_mem>> -> memref<!tpu.dma_semaphore, #tpu.memory_space<semaphore_mem>>
    %dma_wait3A_344 = arith.constant 0 : i32
    %dma_wait3A_345 = arith.constant 0 : i32
    %dma_wait3A_346 = tpu.memref_slice %arg4[%mul3A_2, %dma_wait3A_344, %dma_wait3A_345] : memref<4096x200x128xf32, #tpu.memory_space<hbm>> -> memref<1x200x128xf32, #tpu.memory_space<hbm>>
    %dma_wait3A_347 = tpu.memref_squeeze %dma_wait3A_346 : memref<1x200x128xf32, #tpu.memory_space<hbm>> -> memref<200x128xf32, #tpu.memory_space<hbm>>
    %dma_wait3A_348 = arith.constant 0 : i32
    %dma_wait3A_349 = arith.constant 0 : i32
    %dma_wait3A_350 = tpu.memref_slice %arg6[%dma_wait3A_332, %dma_wait3A_348, %dma_wait3A_349] : memref<4x200x128xf32, #tpu.memory_space<vmem>> -> memref<1x200x128xf32, #tpu.memory_space<vmem>>
    %dma_wait3A_351 = tpu.memref_squeeze %dma_wait3A_350 : memref<1x200x128xf32, #tpu.memory_space<vmem>> -> memref<200x128xf32, #tpu.memory_space<vmem>>
    tpu.wait_dma2 semaphore(%dma_wait3A_343 : memref<!tpu.dma_semaphore, #tpu.memory_space<semaphore_mem>>) src(%dma_wait3A_351 : memref<200x128xf32, #tpu.memory_space<vmem>>) dst(%dma_wait3A_347 : memref<200x128xf32, #tpu.memory_space<hbm>>)
    return
  }
}

</mosaic_0001>

<sc_bundles>
// kernel: kernel.3.cloned.1.call-start
scs
__scs_entry_jumppad:
0x0: {  	(pc) =	sbr.rel $0x88, $3  }
0x1: {  	(tag) =	ssettag $0x0;
	lr =	simm.s32 $0x1  }
0x2: {  	[smem:$0x3F9F] =	sst lr;
	_ =	strace $0xD0000000  }
0x3: {  	_ = 	snop  }
0x4: {  	_ = 	snop  }
0x5: {  	_ = 	snop  }
0x6: {  	_ = 	snop  }
0x7: {  	_ = 	snop  }
__scs_overlays_trampoline_lowered:
0x8: {  	[smem:$0x3FAE] =	sst s0  }
0x9: {  	[smem:$0x3FAF] =	sst s1  }
0xa: {  	[smem:$0x3FB0] =	sst s2  }
0xb: {  	[smem:$0x3FB1] =	sst s3  }
0xc: {  	[smem:$0x3FB2] =	sst s4  }
0xd: {  	[smem:$0x3FB3] =	sst s5  }
0xe: {  	[smem:$0x3FB4] =	sst s6  }
0xf: {  	[smem:$0x3FB5] =	sst s7  }
0x10: {  	[smem:$0x3FB6] =	sst s8  }
0x11: {  	[smem:$0x3FB7] =	sst s9;
	s0 =	simm.s32 @!p0 $0x0  }
0x12: {  	s1 =	sld [smem:$0x3F9D];
	s0 =	simm.s32 @p0 $0x1  }
0x13: {  	[smem:$0x3FB8] =	sst s0;
	s0 =	simm.s32 @!p1 $0x0  }
0x14: {  	s2 =	sld [smem:$0x3F9C];
	s0 =	simm.s32 @p1 $0x1  }
0x15: {  	[smem:$0x3FB9] =	sst s0;
	s0 =	simm.s32 @!p2 $0x0  }
0x16: {  	s3 =	sld [smem:$0x3FDB];
	s0 =	simm.s32 @p2 $0x1  }
0x17: {  	s4 =	simm.s32 $0x1BF5;
	[smem:$0x3FBB] =	sst s0  }
0x18: {  	s0 =	sld [smem:$0x3F9E];
	_ =	swait.ge [sflag:s4], $0x0  }
0x19: {  	s7 =	sld [smem:$0x3F9F]  }
0x1a: {  	s8 =	sadd.s32 $0xFFFFE003, lr  }
0x1b: {  	s9 =	sadd.s32 $0xFFFFFEF7, lr;
	s5 =	simm.s32 $0xFFFFFFFF;
	p2 =	slt.u32 s8, $0xFFFFF086  }
0x1c: {  	p1 =	slt.u32 s9, $0xF7A;
	s5 =	simm.s32 @!p2 $0x0  }
0x1d: {  	s5 =	simm.s32 @p1 $0x1;
	p0 =	seq.s32 s7, s2  }
0x1e: {  	s7 =	smul.u32 @!p0 $0xF7A, s2;
	p2 =	seq.s32 @!p0 s5, $0x0  }
0x1f: {  	s9 =	smul.u32 $0xF7A, s1;
	s8 =	simm.s32 @!p0 $0x1BF5;
	p2 =	por !p2, p0  }
0x20: {  	[sflag:s8] =	ssyncset.s32 @!p0 $0xFFFFF086;
	s6 =	sadd.s32 @!p0 s3, s7;
	s7 =	simm.s32 @!p0 $0x108  }
0x21: {  	s3 =	sadd.s32 s3, s9;
	s6 =	sadd.s32 @!p0 $0x88, s6;
	s7 =	simm.s32 @p2 $0x1082  }
0x22: {  	[simem:s7], [sflag:s8] =	dma.local @!p0 [hbm:s6], $0xF7A  }
0x23: {  	s9 =	sor.u32 $0xD0000000, s2;
	s6 =	simm.s32 $0x108;
	_ =	swait.ge @!p0 [sflag:s8], $0x0  }
0x24: {  	s3 =	sadd.s32 $0x88, s3;
	s6 =	simm.s32 @!p1 $0x1082;
	[sflag:s4] =	ssyncset.s32 $0xFFFFF086  }
0x25: {  	[simem:s6], [sflag:s4] =	dma.local [hbm:s3], $0xF7A  }
0x26: {  	[smem:$0x3F9F] =	sst s1;
	(tag) =	ssettag s2;
	_ =	strace s9  }
0x27: {  	s1 =	sld [smem:$0x3FAF]  }
0x28: {  	s2 =	sld [smem:$0x3FB0]  }
0x29: {  	s4 =	sld [smem:$0x3FB2]  }
0x2a: {  	p0 =	seq.s32 s5, $0x0;
	s5 =	sld [smem:$0x3FB3]  }
0x2b: {  	s6 =	sld [smem:$0x3FB4]  }
0x2c: {  	s7 =	sld [smem:$0x3FB5]  }
0x2d: {  	s3 =	simm.s32 $0x108;
	s8 =	sld [smem:$0x3FB6]  }
0x2e: {  	s3 =	simm.s32 @!p0 $0x1082;
	s9 =	sld [smem:$0x3FB7]  }
0x2f: {  	lr =	sadd.s32 s0, s3;
	s0 =	sld [smem:$0x3FAE]  }
0x30: {  	s3 =	sld [smem:$0x3FB1]  }
0x31: {  	[smem:$0x3FBA] =	sst s10  }
0x32: {  	s10 =	sld [smem:$0x3FB8];
	_ =	sdelay $0x3  }
0x33: {  	p0 =	seq.s32 s10, $0x1;
	s10 =	sld [smem:$0x3FBA];
	_ =	sdelay $0x3  }
0x34: {  	[smem:$0x3FBA] =	sst s10  }
0x35: {  	s10 =	sld [smem:$0x3FB9];
	_ =	sdelay $0x3  }
0x36: {  	p1 =	seq.s32 s10, $0x1;
	s10 =	sld [smem:$0x3FBA];
	_ =	sdelay $0x3  }
0x37: {  	[smem:$0x3FBA] =	sst s10  }
0x38: {  	s10 =	sld [smem:$0x3FBB]  }
0x39: {  	_ = 	snop;
	(pc) =	sbr.ind lr, $3  }
0x3a: {  	_ = 	snop  }
0x3b: {  	_ = 	snop  }
0x3c: {  	p2 =	seq.s32 s10, $0x1;
	s10 =	sld [smem:$0x3FBA]  }
0x3d: {  	_ =	shalt  }
0x3e: {  	_ =	shalt  }
0x3f: {  	_ =	shalt  }
0x40: {  	_ =	shalt  }
0x41: {  	_ =	shalt  }
0x42: {  	_ =	shalt  }
0x43: {  	_ =	shalt  }
0x44: {  	_ =	shalt  }
0x45: {  	_ =	shalt  }
0x46: {  	_ =	shalt  }
0x47: {  	_ =	shalt  }
0x48: {  	_ =	shalt  }
0x49: {  	_ =	shalt  }
0x4a: {  	_ =	shalt  }
0x4b: {  	_ =	shalt  }
0x4c: {  	_ =	shalt  }
0x4d: {  	_ =	shalt  }
0x4e: {  	_ =	shalt  }
0x4f: {  	_ =	shalt  }
0x50: {  	_ =	shalt  }
0x51: {  	_ =	shalt  }
0x52: {  	_ =	shalt  }
0x53: {  	_ =	shalt  }
0x54: {  	_ =	shalt  }
0x55: {  	_ =	shalt  }
0x56: {  	_ =	shalt  }
0x57: {  	_ =	shalt  }
0x58: {  	_ =	shalt  }
0x59: {  	_ =	shalt  }
0x5a: {  	_ =	shalt  }
0x5b: {  	_ =	shalt  }
0x5c: {  	_ =	shalt  }
0x5d: {  	_ =	shalt  }
0x5e: {  	_ =	shalt  }
0x5f: {  	_ =	shalt  }
0x60: {  	_ =	shalt  }
0x61: {  	_ =	shalt  }
0x62: {  	_ =	shalt  }
0x63: {  	_ =	shalt  }
0x64: {  	_ =	shalt  }
0x65: {  	_ =	shalt  }
0x66: {  	_ =	shalt  }
0x67: {  	_ =	shalt  }
0x68: {  	_ =	shalt  }
0x69: {  	_ =	shalt  }
0x6a: {  	_ =	shalt  }
0x6b: {  	_ =	shalt  }
0x6c: {  	_ =	shalt  }
0x6d: {  	_ =	shalt  }
0x6e: {  	_ =	shalt  }
0x6f: {  	_ =	shalt  }
0x70: {  	_ =	shalt  }
0x71: {  	_ =	shalt  }
0x72: {  	_ =	shalt  }
0x73: {  	_ =	shalt  }
0x74: {  	_ =	shalt  }
0x75: {  	_ =	shalt  }
0x76: {  	_ =	shalt  }
0x77: {  	_ =	shalt  }
0x78: {  	_ =	shalt  }
0x79: {  	_ =	shalt  }
0x7a: {  	_ =	shalt  }
0x7b: {  	_ =	shalt  }
0x7c: {  	_ =	shalt  }
0x7d: {  	_ =	shalt  }
0x7e: {  	_ =	shalt  }
0x7f: {  	_ =	shalt  }
0x80: {  	_ =	shalt  }
0x81: {  	_ =	shalt  }
0x82: {  	_ =	shalt  }
0x83: {  	_ =	shalt  }
0x84: {  	_ =	shalt  }
0x85: {  	_ =	shalt  }
0x86: {  	_ =	shalt  }
0x87: {  	_ =	shalt  }
.Lfunc_end0:
.L_simem_size_0:
called_computation.1_lowered:
.L_overlay_start_0:
0x88: {  	s2 =	sld [smem:$0x3FD9]  }
0x89: {  	s3 =	sld [smem:$0x3FFE];
	_ =	sdelay $0x1  }
0x8a: {  	s1 =	srdreg.scid  }
0x8b: {  	s0 =	sand.u32 $0x1, s1  }
0x8c: {  	s17 =	sshll.u32 s0, $0xA;
	s2 =	sadd.s32 s3, s2  }
0x8d: {  	s2 =	sadd.s32 s2, s17  }
0x8e: {  	[smem:$0x3FC6] =	sst s2  }
0x8f: {  	_ = 	snop  }
0x90: {  	s2 =	sld [smem:$0x3FD0];
	(tm) =	ssettm $0x1  }
0x91: {  	s18 =	sld [smem:$0x3FFB];
	_ =	sdelay $0x3  }
0x92: {  	_ =	strace s18  }
0x93: {  	s3 =	sld [smem:$0x3FFC];
	_ =	sdelay $0x3  }
0x94: {  	_ =	strace s3  }
0x95: {  	s3 =	sld [smem:$0x3FFD];
	_ =	sdelay $0x3  }
0x96: {  	_ =	strace s3  }
0x97: {  	_ =	strace $0x8FFFFFFF  }
0x98: {  	s19 =	sld [smem:$0x3FDB];
	_ =	sdelay $0x1  }
0x99: {  	s4 =	simm.s32 $_scs_section_size  }
0x9a: {  	s5 =	simm.s32 $_size__tile_overlayer_lowered;
	s6 =	simm.s32 $_tile_overlayer_lowered  }
0x9b: {  	s22 =	simm.s32 $0x1BFF;
	s21 =	sshll.u32 s6, $0x1;
	s3 =	sadd.s32 s4, s19  }
0x9c: {  	s7 =	simm.s32 $0x0;
	s20 =	sshll.u32 s5, $0x1;
	s5 =	sadd.s32 s21, s3  }
0x9d: {  	[timem:s7], [sflag:s22] =	dma.local [hbm:s5], s20  }
0x9e: {  	_ =	swait.ge [sflag:s22], s20  }
0x9f: {  	s4 =	ssub.s32 $0x0, s20;
	[sflag:s22] =	ssyncset.done $0x0  }
0xa0: {  	[sflag:s22] =	ssyncadd.s32 s4;
	_ =	sdelay $0x1  }
0xa1: {  	s23 =	simm.s32 $0x1B8B  }
0xa2: {  	_ =	swait.ge [sflag:s23], $0x1  }
0xa3: {  	[sflag:s23] =	ssyncset.done $0x0  }
0xa4: {  	s25 =	simm.s32 $0x1B8E;
	s24 =	sld [smem:$0x3FFE];
	[sflag:s23] =	ssyncadd.s32 $0xFFFFFFFF  }
0xa5: {  	s26 =	simm.s32 $execute0_lowered;
	[smem:$0x3FD2] =	sst s25  }
0xa6: {  	s5 =	sshll.u32 s26, $0x1;
	_ =	strace $0x80000046;
	[dreg:$0x1] =	wrdreg $0xFFFFFFFF  }
0xa7: {  	s28 =	simm.s32 $_size_execute0_lowered;
	s3 =	sadd.s32 s3, s5;
	[dreg:$0x0] =	wrdreg $0x0  }
0xa8: {  	s5 =	sshll.u32 s28, $0x1;
	[dreg:$0x2] =	wrdreg s3  }
0xa9: {  	[dreg:$0x3] =	wrdreg s5  }
0xaa: {  	[dreg:$0x4] =	wrdreg $0xC0  }
0xab: {  	_ =	task [dreg:s7], $0x5FFFF  }
0xac: {  	[dreg:$0x1] =	wrdreg $0xFFFFFFFF  }
0xad: {  	[dreg:$0x0] =	wrdreg $0x60  }
0xae: {  	[dreg:$0x2] =	wrdreg s24  }
0xaf: {  	[dreg:$0x3] =	wrdreg s2  }
0xb0: {  	[dreg:$0x4] =	wrdreg $0x9  }
0xb1: {  	_ =	task.clear_ibuf [dreg:s7], $0x5FFFF;
	_ =	strace $0x90000046  }
0xb2: {  	s29 =	simm.s32 $0x9;
	_ =	strace $0x80000048  }
0xb3: {  	_ =	swait.ge [sflag:s29], $0x1  }
0xb4: {  	[sflag:s29] =	ssyncadd.s32 $0xFFFFFFFF  }
0xb5: {  	_ =	strace $0x90000048  }
0xb6: {  	_ =	sfence  }
0xb7: {  	s30 =	sld [smem:$0x0];
	_ =	sdelay $0x2  }
0xb8: {  	s31 =	sshll.u32 s1, $0xD;
	s1 =	sshrl.u32 s1, $0x2  }
0xb9: {  	s3 =	sand.u32 $0x4000, s31;
	s1 =	sadd.s32 s1, s30  }
0xba: {  	s0 =	sor.u32 s3, s0;
	s1 =	sshll.u32 s1, $0x11  }
0xbb: {  	s0 =	sor.u32 s1, s0  }
0xbc: {  	s0 =	sadd.s32 $0x8F2B, s0  }
0xbd: {  	[sflag:s0] =	ssyncadd.remote.s32 $0x1  }
0xbe: {  	_ =	sfence.sel $0xFFFF  }
0xbf: {  	[dreg:$0x0] =	wrdreg $0xFFFFFFFF;
	(pc) =	sbr.abs _section_cstart, $3  }
0xc0: {  	[dreg:$0x1] =	wrdreg $0xFFFFFFFF  }
0xc1: {  	_ =	task.clear_ibuf [dreg:s7], $0x2FFFF;
	_ =	strace $0x9FFFFFFF  }
0xc2: {  	(tm) =	ssettm $0x7FFFFFFF  }
0xc3: {  	_ =	shalt  }
tec
execute0_lowered:
.L_overlay_start_1:
0x0: {  	(tag) =	ssettag $0x1  }
0x1: {  	s0 =	rddreg [dreg:$0x0]  }
0x2: {  	s1 =	srdreg.scid;
	s11 =	stileid.u32  }
0x3: {  	s4 =	rddreg [dreg:$0x1];
	s2 =	simm.s32 $0x0;
	s12 =	simm.s32 $0x80  }
0x4: {  	s13 =	simm.s32 $0x6400;
	s14 =	simm.s32 $0x48;
	s15 =	simm.s32 $0xA400  }
0x5: {  	s17 =	simm.s32 $0xC800;
	s19 =	simm.s32 $0x10800;
	s21 =	simm.s32 $0x12C00  }
0x6: {  	s28 =	simm.s32 $0x1D000;
	s29 =	simm.s32 $0x1;
	s30 =	simm.s32 $0x2  }
0x7: {  	s31 =	simm.s32 $0x3;
	s16 =	simm.s32 $0x6;
	s18 =	simm.s32 $0x7  }
0x8: {  	s20 =	simm.s32 $0x8;
	s22 =	simm.s32 $0x0;
	s1 =	sand.u32 $0x1, s1  }
0x9: {  	s3 =	sshll.u32 s11, $0x1;
	[smem:$0x7FF] =	sst s2;
	s25 =	smul.u32 $0xC8000, s11  }
0xa: {  	s3 =	sor.u32 s1, s3;
	s6 =	ssub.s32 $0x2, s1;
	s1 =	smul.u32 $0x64000, s1  }
0xb: {  	s10 =	sadd.s32 $0xA00, s0;
	s11 =	simm.s32 $0x9;
	s5 =	smul.u32 $0x320000, s3  }
0xc: {  	_ =	strace $0x80000047;
	s7 =	sshrl.u32 s6, $0x1;
	s8 =	smul.u32 $0xC80, s3  }
0xd: {  	s3 =	sadd.s32 $0xF42E00, s0;
	s26 =	sadd.s32 s25, s10;
	s25 =	simm.s32 $0x19000  }
0xe: {  	s0 =	simm.s32 $0x5;
	s5 =	sshrl.u32 s5, $0x3;
	s4 =	sadd.s32 s4, s8  }
0xf: {  	s23 =	ssub.s32 s6, s7;
	s9 =	sadd.s32 s10, s5;
	[dreg:$0x3] =	wrdreg s4  }
0x10: {  	s10 =	sadd.s32 s1, s26;
	s1 =	simm.s32 $0x4;
	s24 =	sadd.s32 $0x60E00, s9  }
0x11: {  	s6 =	sadd.s32 $0x61A80, s9;
	s7 =	sadd.s32 $0x62700, s9;
	s8 =	sadd.s32 $0x63380, s9  }
0x12: {  	s9 =	smax.u32 s23, $0x1;
	s23 =	simm.s32 $0x16C00;
	[dreg:$0x4] =	wrdreg s24  }
.LBB2_1:
0x13: {  	s4 =	rddreg [dreg:$0x3]  }
0x14: {  	[tilespmem:s2], [sflag:$0x9] =	stream.linear.gather [hbm4b:s4+s2], $0x6400, $0x38;
	[tilespmem:$0x1F400] =	vst v63  }
0x15: {  	_ =	swait.ge [sflag:s11], $0x6400  }
0x16: {  	[sflag:s11] =	ssyncset.done $0x0  }
0x17: {  	[sflag:s11] =	ssyncadd.s32 $0xFFFF9C00  }
0x18: {  	[tilespmem:s13], [sflag:$0x1] =	stream.indirect.gather [hbm4b:s3+s12], $0x80, s2, s12, $0xb8;
	[tilespmem:$0x1F400] =	vst v63  }
0x19: {  	_ = 	snop  }
0x1a: {  	[tilespmem:s15], [sflag:$0x1] =	stream.indirect.gather [hbm4b:s3+s14], $0x80, s12, s14, $0xb8;
	[tilespmem:$0x1F400] =	vst v63  }
0x1b: {  	s26 =	simm.s32 $0xC8  }
0x1c: {  	[tilespmem:s17], [sflag:$0x2] =	stream.indirect.gather [hbm4b:s3+s12], $0x80, s26, s12, $0xb8;
	[tilespmem:$0x1F400] =	vst v63  }
0x1d: {  	s5 =	simm.s32 $0x148  }
0x1e: {  	[tilespmem:s19], [sflag:$0x2] =	stream.indirect.gather [hbm4b:s3+s14], $0x80, s5, s14, $0xb8;
	[tilespmem:$0x1F400] =	vst v63  }
0x1f: {  	s24 =	simm.s32 $0x190  }
0x20: {  	[tilespmem:s21], [sflag:$0x3] =	stream.indirect.gather [hbm4b:s3+s12], $0x80, s24, s12, $0xb8;
	[tilespmem:$0x1F400] =	vst v63  }
0x21: {  	s26 =	simm.s32 $0x210  }
0x22: {  	[tilespmem:s23], [sflag:$0x3] =	stream.indirect.gather [hbm4b:s3+s14], $0x80, s26, s14, $0xb8;
	[tilespmem:$0x1F400] =	vst v63  }
0x23: {  	s5 =	simm.s32 $0x258  }
0x24: {  	[tilespmem:s25], [sflag:$0x4] =	stream.indirect.gather [hbm4b:s3+s12], $0x80, s5, s12, $0xb8;
	[tilespmem:$0x1F400] =	vst v63  }
0x25: {  	s24 =	simm.s32 $0x2D8  }
0x26: {  	[tilespmem:s28], [sflag:$0x4] =	stream.indirect.gather [hbm4b:s3+s14], $0x80, s24, s14, $0xb8;
	[tilespmem:$0x1F400] =	vst v63  }
0x27: {  	_ =	swait.ge [sflag:s29], $0x6400  }
0x28: {  	[sflag:s29] =	ssyncset.done $0x0  }
0x29: {  	[sflag:s29] =	ssyncadd.s32 $0xFFFF9C00  }
0x2a: {  	[hbm4b:s10+s2] =	stream.linear.scatter [tilespmem:s13], [sflag:$0x5], $0x6400, $0x38;
	[tilespmem:$0x1F400] =	vst v63  }
0x2b: {  	_ =	swait.ge [sflag:s30], $0x6400  }
0x2c: {  	[sflag:s30] =	ssyncset.done $0x0  }
0x2d: {  	s26 =	sadd.s32 $0xC80, s10;
	[sflag:s30] =	ssyncadd.s32 $0xFFFF9C00  }
0x2e: {  	[hbm4b:s26+s2] =	stream.linear.scatter [tilespmem:s17], [sflag:$0x6], $0x6400, $0x38;
	[tilespmem:$0x1F400] =	vst v63  }
0x2f: {  	_ =	swait.ge [sflag:s31], $0x6400  }
0x30: {  	[sflag:s31] =	ssyncset.done $0x0  }
0x31: {  	s5 =	sadd.s32 $0x1900, s10;
	[sflag:s31] =	ssyncadd.s32 $0xFFFF9C00  }
0x32: {  	[hbm4b:s5+s2] =	stream.linear.scatter [tilespmem:s21], [sflag:$0x7], $0x6400, $0x38;
	[tilespmem:$0x1F400] =	vst v63  }
0x33: {  	_ =	swait.ge [sflag:s1], $0x6400  }
0x34: {  	[sflag:s1] =	ssyncset.done $0x0  }
0x35: {  	s24 =	sadd.s32 $0x2580, s10;
	[sflag:s1] =	ssyncadd.s32 $0xFFFF9C00  }
0x36: {  	[hbm4b:s24+s2] =	stream.linear.scatter [tilespmem:s25], [sflag:$0x8], $0x6400, $0x38;
	[tilespmem:$0x1F400] =	vst v63  }
0x37: {  	_ =	swait.ge [sflag:s0], $0x6400  }
0x38: {  	[sflag:s0] =	ssyncset.done $0x0  }
0x39: {  	s26 =	simm.s32 $0x320;
	[sflag:s0] =	ssyncadd.s32 $0xFFFF9C00  }
0x3a: {  	[tilespmem:s13], [sflag:$0x1] =	stream.indirect.gather [hbm4b:s3+s12], $0x80, s26, s12, $0xb8;
	[tilespmem:$0x1F400] =	vst v63  }
0x3b: {  	s5 =	simm.s32 $0x3A0  }
0x3c: {  	[tilespmem:s15], [sflag:$0x1] =	stream.indirect.gather [hbm4b:s3+s14], $0x80, s5, s14, $0xb8;
	[tilespmem:$0x1F400] =	vst v63  }
0x3d: {  	_ =	swait.ge [sflag:s16], $0x6400  }
0x3e: {  	[sflag:s16] =	ssyncset.done $0x0  }
0x3f: {  	s24 =	simm.s32 $0x3E8;
	[sflag:s16] =	ssyncadd.s32 $0xFFFF9C00  }
0x40: {  	[tilespmem:s17], [sflag:$0x2] =	stream.indirect.gather [hbm4b:s3+s12], $0x80, s24, s12, $0xb8;
	[tilespmem:$0x1F400] =	vst v63  }
0x41: {  	s26 =	simm.s32 $0x468  }
0x42: {  	[tilespmem:s19], [sflag:$0x2] =	stream.indirect.gather [hbm4b:s3+s14], $0x80, s26, s14, $0xb8;
	[tilespmem:$0x1F400] =	vst v63  }
0x43: {  	_ =	swait.ge [sflag:s18], $0x6400  }
0x44: {  	[sflag:s18] =	ssyncset.done $0x0  }
0x45: {  	s5 =	simm.s32 $0x4B0;
	[sflag:s18] =	ssyncadd.s32 $0xFFFF9C00  }
0x46: {  	[tilespmem:s21], [sflag:$0x3] =	stream.indirect.gather [hbm4b:s3+s12], $0x80, s5, s12, $0xb8;
	[tilespmem:$0x1F400] =	vst v63  }
0x47: {  	s24 =	simm.s32 $0x530  }
0x48: {  	[tilespmem:s23], [sflag:$0x3] =	stream.indirect.gather [hbm4b:s3+s14], $0x80, s24, s14, $0xb8;
	[tilespmem:$0x1F400] =	vst v63  }
0x49: {  	_ =	swait.ge [sflag:s20], $0x6400  }
0x4a: {  	[sflag:s20] =	ssyncset.done $0x0  }
0x4b: {  	s26 =	simm.s32 $0x578;
	[sflag:s20] =	ssyncadd.s32 $0xFFFF9C00  }
0x4c: {  	[tilespmem:s25], [sflag:$0x4] =	stream.indirect.gather [hbm4b:s3+s12], $0x80, s26, s12, $0xb8;
	[tilespmem:$0x1F400] =	vst v63  }
0x4d: {  	s4 =	simm.s32 $0x5F8;
	s24 =	simm.s32 $0xC80;
	s26 =	sadd.s32 $0x3200, s10  }
.LBB2_2:
0x4e: {  	[tilespmem:s28], [sflag:$0x4] =	stream.indirect.gather [hbm4b:s3+s14], $0x80, s4, s14, $0xb8;
	[tilespmem:$0x1F400] =	vst v63  }
0x4f: {  	s4 =	smov.u32 s24  }
0x50: {  	p0 =	sne.s32 s24, $0x17700;
	s24 =	sadd.s32 $0xC80, s24;
	_ =	swait.ge [sflag:s29], $0x6400  }
0x51: {  	[sflag:s29] =	ssyncset.done $0x0  }
0x52: {  	[sflag:s29] =	ssyncadd.s32 $0xFFFF9C00  }
0x53: {  	[hbm4b:s26+s2] =	stream.linear.scatter [tilespmem:s13], [sflag:$0x5], $0x6400, $0x38;
	[tilespmem:$0x1F400] =	vst v63  }
0x54: {  	_ =	swait.ge [sflag:s30], $0x6400  }
0x55: {  	[sflag:s30] =	ssyncset.done $0x0  }
0x56: {  	s5 =	sadd.s32 $0xC80, s26;
	[sflag:s30] =	ssyncadd.s32 $0xFFFF9C00  }
0x57: {  	[hbm4b:s5+s2] =	stream.linear.scatter [tilespmem:s17], [sflag:$0x6], $0x6400, $0x38;
	[tilespmem:$0x1F400] =	vst v63  }
0x58: {  	_ =	swait.ge [sflag:s31], $0x6400  }
0x59: {  	[sflag:s31] =	ssyncset.done $0x0  }
0x5a: {  	s5 =	sadd.s32 $0x1900, s26;
	[sflag:s31] =	ssyncadd.s32 $0xFFFF9C00  }
0x5b: {  	[hbm4b:s5+s2] =	stream.linear.scatter [tilespmem:s21], [sflag:$0x7], $0x6400, $0x38;
	[tilespmem:$0x1F400] =	vst v63  }
0x5c: {  	_ =	swait.ge [sflag:s1], $0x6400  }
0x5d: {  	[sflag:s1] =	ssyncset.done $0x0  }
0x5e: {  	s5 =	sadd.s32 $0x2580, s26;
	[sflag:s1] =	ssyncadd.s32 $0xFFFF9C00  }
0x5f: {  	[hbm4b:s5+s2] =	stream.linear.scatter [tilespmem:s25], [sflag:$0x8], $0x6400, $0x38;
	[tilespmem:$0x1F400] =	vst v63  }
0x60: {  	_ =	swait.ge [sflag:s0], $0x6400  }
0x61: {  	s4 =	sshra.s32 s4, $0x2;
	[sflag:s0] =	ssyncset.done $0x0  }
0x62: {  	s5 =	sadd.s32 $0x320, s4;
	[sflag:s0] =	ssyncadd.s32 $0xFFFF9C00  }
0x63: {  	[tilespmem:s13], [sflag:$0x1] =	stream.indirect.gather [hbm4b:s3+s12], $0x80, s5, s12, $0xb8;
	[tilespmem:$0x1F400] =	vst v63  }
0x64: {  	s5 =	sadd.s32 $0x3A0, s4  }
0x65: {  	[tilespmem:s15], [sflag:$0x1] =	stream.indirect.gather [hbm4b:s3+s14], $0x80, s5, s14, $0xb8;
	[tilespmem:$0x1F400] =	vst v63  }
0x66: {  	_ =	swait.ge [sflag:s16], $0x6400  }
0x67: {  	[sflag:s16] =	ssyncset.done $0x0  }
0x68: {  	s5 =	sadd.s32 $0x3E8, s4;
	[sflag:s16] =	ssyncadd.s32 $0xFFFF9C00  }
0x69: {  	[tilespmem:s17], [sflag:$0x2] =	stream.indirect.gather [hbm4b:s3+s12], $0x80, s5, s12, $0xb8;
	[tilespmem:$0x1F400] =	vst v63  }
0x6a: {  	s5 =	sadd.s32 $0x468, s4  }
0x6b: {  	[tilespmem:s19], [sflag:$0x2] =	stream.indirect.gather [hbm4b:s3+s14], $0x80, s5, s14, $0xb8;
	[tilespmem:$0x1F400] =	vst v63  }
0x6c: {  	_ =	swait.ge [sflag:s18], $0x6400  }
0x6d: {  	[sflag:s18] =	ssyncset.done $0x0  }
0x6e: {  	s5 =	sadd.s32 $0x4B0, s4;
	[sflag:s18] =	ssyncadd.s32 $0xFFFF9C00  }
0x6f: {  	[tilespmem:s21], [sflag:$0x3] =	stream.indirect.gather [hbm4b:s3+s12], $0x80, s5, s12, $0xb8;
	[tilespmem:$0x1F400] =	vst v63  }
0x70: {  	s5 =	sadd.s32 $0x530, s4  }
0x71: {  	[tilespmem:s23], [sflag:$0x3] =	stream.indirect.gather [hbm4b:s3+s14], $0x80, s5, s14, $0xb8;
	[tilespmem:$0x1F400] =	vst v63  }
.Ltmp0:
0x72: {  	_ =	swait.ge [sflag:s20], $0x6400;
	(pc) =	sbr.rel @p0 .LBB2_2-.Ltmp0, $4  }
0x73: {  	[sflag:s20] =	ssyncset.done $0x0  }
0x74: {  	s5 =	sadd.s32 $0x578, s4;
	[sflag:s20] =	ssyncadd.s32 $0xFFFF9C00  }
0x75: {  	[tilespmem:s25], [sflag:$0x4] =	stream.indirect.gather [hbm4b:s3+s12], $0x80, s5, s12, $0xb8;
	[tilespmem:$0x1F400] =	vst v63  }
0x76: {  	s26 =	sadd.s32 $0x3200, s26;
	s4 =	sadd.s32 $0x5F8, s4  }
0x77: {  	[tilespmem:s28], [sflag:$0x4] =	stream.indirect.gather [hbm4b:s3+s14], $0x80, s4, s14, $0xb8;
	[tilespmem:$0x1F400] =	vst v63  }
0x78: {  	_ =	swait.ge [sflag:s29], $0x6400  }
0x79: {  	[sflag:s29] =	ssyncset.done $0x0  }
0x7a: {  	s26 =	rddreg [dreg:$0x4];
	[sflag:s29] =	ssyncadd.s32 $0xFFFF9C00  }
0x7b: {  	[hbm4b:s26+s2] =	stream.linear.scatter [tilespmem:s13], [sflag:$0x5], $0x6400, $0x38;
	[tilespmem:$0x1F400] =	vst v63  }
0x7c: {  	_ =	swait.ge [sflag:s30], $0x6400  }
0x7d: {  	[sflag:s30] =	ssyncset.done $0x0  }
0x7e: {  	[sflag:s30] =	ssyncadd.s32 $0xFFFF9C00  }
0x7f: {  	[hbm4b:s6+s2] =	stream.linear.scatter [tilespmem:s17], [sflag:$0x6], $0x6400, $0x38;
	[tilespmem:$0x1F400] =	vst v63  }
0x80: {  	_ =	swait.ge [sflag:s31], $0x6400  }
0x81: {  	[sflag:s31] =	ssyncset.done $0x0  }
0x82: {  	[sflag:s31] =	ssyncadd.s32 $0xFFFF9C00  }
0x83: {  	[hbm4b:s7+s2] =	stream.linear.scatter [tilespmem:s21], [sflag:$0x7], $0x6400, $0x38;
	[tilespmem:$0x1F400] =	vst v63  }
0x84: {  	_ =	swait.ge [sflag:s1], $0x6400  }
0x85: {  	[sflag:s1] =	ssyncset.done $0x0  }
0x86: {  	[sflag:s1] =	ssyncadd.s32 $0xFFFF9C00  }
0x87: {  	[hbm4b:s8+s2] =	stream.linear.scatter [tilespmem:s25], [sflag:$0x8], $0x6400, $0x38;
	[tilespmem:$0x1F400] =	vst v63  }
0x88: {  	_ =	swait.ge [sflag:s0], $0x6400  }
0x89: {  	[sflag:s0] =	ssyncset.done $0x0  }
0x8a: {  	[sflag:s0] =	ssyncadd.s32 $0xFFFF9C00  }
0x8b: {  	_ =	swait.ge [sflag:s16], $0x6400  }
0x8c: {  	[sflag:s16] =	ssyncset.done $0x0  }
0x8d: {  	s22 =	sadd.s32 $0x1, s22;
	[sflag:s16] =	ssyncadd.s32 $0xFFFF9C00  }
0x8e: {  	p0 =	sne.s32 s22, s9;
	_ =	swait.ge [sflag:s18], $0x6400  }
.Ltmp1:
0x8f: {  	[sflag:s18] =	ssyncset.done $0x0;
	(pc) =	sbr.rel @p0 .LBB2_1-.Ltmp1, $4  }
0x90: {  	[sflag:s18] =	ssyncadd.s32 $0xFFFF9C00  }
0x91: {  	_ =	swait.ge [sflag:s20], $0x6400  }
0x92: {  	[sflag:s20] =	ssyncset.done $0x0  }
0x93: {  	[sflag:s20] =	ssyncadd.s32 $0xFFFF9C00  }
0x94: {  	_ =	sfence.sel $0x180000  }
0x95: {  	[bflag:$0x0] =	sbarrier.arrive $0xFFFF  }
0x96: {  	_ =	strace $0x90000047  }
0x97: {  	s0 =	stileid.u32;
	[bflag:$0x2] =	sbarrier.arrive $0xFFFF  }
0x98: {  	p0 =	sne.s32 s0, $0x0;
	s0 =	rddreg [dreg:$0x2]  }
0x99: {  	s0 =	sadd.s32 @!p0 $0x100000, s0  }
0x9a: {  	[sflag:s0] =	ssyncadd.tile.s32 @!p0 $0x1;
	_ =	shalt  }
.Lfunc_end2:
_tile_overlayer_lowered:
.L_overlay_start_2:
0x9b: {  	(tag) =	ssettag $0x2  }
0x9c: {  	s0 =	rddreg [dreg:$0x0];
	s2 =	stileid.u32  }
0x9d: {  	s1 =	rddreg [dreg:$0x1];
	p0 =	sne.s32 s2, $0x0  }
0x9e: {  	s3 =	rddreg [dreg:$0x2];
	[bflag:$0x3] =	sbarrier.arrive $0xFFFF;
	s2 =	simm.s32 @!p0 $0x1C09  }
0x9f: {  	[timem:s3], [sflag:s2] =	dma.local @!p0 [hbm:s0], s1  }
0xa0: {  	s0 =	simm.s32 @!p0 $0x9  }
0xa1: {  	_ =	swait.ge @!p0 [sflag:s0], s1  }
0xa2: {  	s1 =	ssub.s32 @!p0 $0x0, s1;
	[sflag:s0] =	ssyncset.done @!p0 $0x0  }
0xa3: {  	[sflag:s0] =	ssyncadd.s32 @!p0 s1  }
0xa4: {  	[bflag:$0x3] =	sbarrier.arrive $0xFFFF  }
0xa5: {  	_ =	shalt  }

// kernel: sparse-core-data-format-call.cloned.1.call-start
scs
called_computation_lowered:
.L_overlay_start_0:
0x0: {  	s2 =	sld [smem:$0x3FD9]  }
0x1: {  	s3 =	sld [smem:$0x3FFE];
	_ =	sdelay $0x1  }
0x2: {  	s1 =	srdreg.scid  }
0x3: {  	s0 =	sand.u32 $0x1, s1  }
0x4: {  	s18 =	sshll.u32 s0, $0xA;
	s2 =	sadd.s32 s3, s2  }
0x5: {  	s2 =	sadd.s32 s2, s18  }
0x6: {  	[smem:$0x3FC6] =	sst s2  }
0x7: {  	_ = 	snop  }
0x8: {  	s2 =	sld [smem:$0x3FD0];
	(tm) =	ssettm $0x1  }
0x9: {  	s19 =	sld [smem:$0x3FFB];
	_ =	sdelay $0x3  }
0xa: {  	_ =	strace s19  }
0xb: {  	s3 =	sld [smem:$0x3FFC];
	_ =	sdelay $0x3  }
0xc: {  	_ =	strace s3  }
0xd: {  	s3 =	sld [smem:$0x3FFD];
	_ =	sdelay $0x3  }
0xe: {  	_ =	strace s3  }
0xf: {  	_ =	strace $0x8FFFFFFF  }
0x10: {  	s20 =	sld [smem:$0x3FDB];
	_ =	sdelay $0x1  }
0x11: {  	s4 =	simm.s32 $_scs_section_size  }
0x12: {  	s5 =	simm.s32 $_size__tile_overlayer_lowered;
	s6 =	simm.s32 $_tile_overlayer_lowered  }
0x13: {  	s23 =	simm.s32 $0x1BFF;
	s22 =	sshll.u32 s6, $0x1;
	s3 =	sadd.s32 s4, s20  }
0x14: {  	s7 =	simm.s32 $0x0;
	s21 =	sshll.u32 s5, $0x1;
	s5 =	sadd.s32 s22, s3  }
0x15: {  	[timem:s7], [sflag:s23] =	dma.local [hbm:s5], s21  }
0x16: {  	_ =	swait.ge [sflag:s23], s21  }
0x17: {  	s4 =	ssub.s32 $0x0, s21;
	[sflag:s23] =	ssyncset.done $0x0  }
0x18: {  	[sflag:s23] =	ssyncadd.s32 s4;
	_ =	sdelay $0x1  }
0x19: {  	s24 =	simm.s32 $0x1B8B  }
0x1a: {  	_ =	swait.ge [sflag:s24], $0x1  }
0x1b: {  	[sflag:s24] =	ssyncset.done $0x0  }
0x1c: {  	s26 =	simm.s32 $0x1B8E;
	s25 =	sld [smem:$0x3FFE];
	[sflag:s24] =	ssyncadd.s32 $0xFFFFFFFF  }
0x1d: {  	s27 =	simm.s32 $execute0_lowered;
	[smem:$0x3FD2] =	sst s26  }
0x1e: {  	s5 =	sshll.u32 s27, $0x1;
	_ =	strace $0x80000049;
	[dreg:$0x1] =	wrdreg $0xFFFFFFFF  }
0x1f: {  	s28 =	simm.s32 $_size_execute0_lowered;
	s3 =	sadd.s32 s3, s5;
	[dreg:$0x0] =	wrdreg $0x0  }
0x20: {  	s5 =	sshll.u32 s28, $0x1;
	[dreg:$0x2] =	wrdreg s3  }
0x21: {  	[dreg:$0x3] =	wrdreg s5  }
0x22: {  	[dreg:$0x4] =	wrdreg $0xC0  }
0x23: {  	_ =	task [dreg:s7], $0x5FFFF  }
0x24: {  	[dreg:$0x1] =	wrdreg $0xFFFFFFFF  }
0x25: {  	[dreg:$0x0] =	wrdreg $0x60  }
0x26: {  	[dreg:$0x2] =	wrdreg s25  }
0x27: {  	[dreg:$0x3] =	wrdreg s2  }
0x28: {  	[dreg:$0x4] =	wrdreg $0x9  }
0x29: {  	_ =	task.clear_ibuf [dreg:s7], $0x5FFFF;
	_ =	strace $0x90000049  }
0x2a: {  	s29 =	simm.s32 $0x9;
	_ =	strace $0x8000004B  }
0x2b: {  	_ =	swait.ge [sflag:s29], $0x1  }
0x2c: {  	[sflag:s29] =	ssyncadd.s32 $0xFFFFFFFF  }
0x2d: {  	_ =	strace $0x9000004B  }
0x2e: {  	_ =	sfence  }
0x2f: {  	s30 =	sld [smem:$0x0];
	_ =	sdelay $0x2  }
0x30: {  	s31 =	sshll.u32 s1, $0xD;
	s1 =	sshrl.u32 s1, $0x2  }
0x31: {  	s3 =	sand.u32 $0x4000, s31;
	s1 =	sadd.s32 s1, s30  }
0x32: {  	s0 =	sor.u32 s3, s0;
	s1 =	sshll.u32 s1, $0x11  }
0x33: {  	s0 =	sor.u32 s1, s0  }
0x34: {  	s0 =	sadd.s32 $0x8F2B, s0  }
0x35: {  	[sflag:s0] =	ssyncadd.remote.s32 $0x1  }
0x36: {  	_ =	sfence.sel $0xFFFF  }
0x37: {  	[dreg:$0x0] =	wrdreg $0xFFFFFFFF;
	(pc) =	sbr.abs _section_cstart, $3  }
0x38: {  	[dreg:$0x1] =	wrdreg $0xFFFFFFFF  }
0x39: {  	_ =	task.clear_ibuf [dreg:s7], $0x2FFFF;
	_ =	strace $0x9FFFFFFF  }
0x3a: {  	(tm) =	ssettm $0x7FFFFFFF  }
0x3b: {  	_ =	shalt  }
tec
execute0_lowered:
.L_overlay_start_1:
0x0: {  	(tag) =	ssettag $0x1  }
0x1: {  	s0 =	srdreg.scid  }
0x2: {  	s1 =	sshll.u32 s0, $0x4  }
0x3: {  	s0 =	stileid.u32;
	s1 =	sand.u32 $0x10, s1  }
0x4: {  	s1 =	sor.u32 s0, s1  }
0x5: {  	s6 =	rddreg [dreg:$0x0];
	s4 =	simm.s32 $0x1;
	s2 =	sshll.u32 s1, $0x7  }
0x6: {  	s7 =	simm.s32 $0x2;
	s12 =	simm.s32 $0x0;
	s1 =	ssub.s32 $0x1000, s2  }
0x7: {  	s8 =	simm.s32 $0x8000;
	s13 =	simm.s32 $0x0;
	s3 =	sand.u32 $0xF80, s1  }
0x8: {  	s9 =	simm.s32 $0x0;
	s5 =	sshrl.u32 s1, $0xC;
	p0 =	sne.s32 s3, $0x0  }
.Ltmp0:
0x9: {  	s1 =	rddreg [dreg:$0x2];
	s4 =	simm.s32 @!p0 $0x0;
	(pc) =	sbr.rel .LBB1_1-.Ltmp0, $4  }
0xa: {  	s11 =	simm.s32 $0x0;
	s3 =	rddreg [dreg:$0x1];
	s5 =	sadd.s32 s4, s5  }
0xb: {  	_ =	strace $0x8000004A;
	s4 =	simm.s32 $0x1;
	s5 =	smul.u32 $0xC8, s5  }
0xc: {  	s6 =	sadd.s32 $0xA00, s6;
	s10 =	smov.u32 s2;
	[sflag:s4] =	ssyncpa.u1 $0x0  }
0xd: {  	p0 =	por $0x0, $0x0;
	[sflag:s7] =	ssyncpa.u1 $0x0;
	s7 =	sor.u32 $0x1, s5  }
.LBB1_4:
0xe: {  	s16 =	sshll.u32 s13, $0x3;
	s17 =	sand.u32 $0x78, s13  }
0xf: {  	s30 =	sand.u32 $0x7E00, s13;
	s12 =	sshll.u32 s12, $0xF;
	s16 =	sand.u32 $0xC00, s16  }
0x10: {  	[tilespmem:s15+$0x810 ss:$0x81] =	vst.msk $0xffff, v2;
	s31 =	sand.u32 $0x7, s13;
	s16 =	sor.u32 s17, s16;
	s17 =	sadd.s32 s3, s30  }
0x11: {  	[tilespmem:s15+$0x1020 ss:$0x81] =	vst.msk $0xffff, v0;
	s13 =	sshll.u32 s31, $0x12;
	s12 =	sadd.s32 s12, s17;
	s16 =	sshrl.u32 s16, $0x3  }
0x12: {  	[tilespmem:s15+$0x0 ss:$0x81] =	vst.msk $0xffff, v1;
	s13 =	sor.u32 $0x400, s13;
	s12 =	sadd.s32 s16, s12  }
0x13: {  	[hbm4b:s12+s13] =	stream.strided.scatter [tilespmem:s14], [sflag:$0x2], $0x2000, s8, s13, $0x20;
	[tilespmem:$0x8080] =	vst v63  }
.LBB1_5:
0x14: {  	s14 =	sadd.s32 $0x1, s9  }
0x15: {  	s12 =	sadd.s32 $0x1000, s10;
	s16 =	smov.u32 s10;
	p2 =	sgt.s32 s14, $0xC7  }
0x16: {  	s16 =	smov.u32 @p2 s12  }
0x17: {  	s14 =	simm.s32 @p2 $0x0;
	p2 =	sgt.s32 s16, $0xFFF  }
0x18: {  	s16 =	smov.u32 @p2 s2;
	p2 =	sne.s32 s11, s7  }
.Ltmp1:
0x19: {  	p1 =	slt.u32 s11, $0x2;
	(pc) =	sbr.rel @!p2 .LBB1_6-.Ltmp1, $4  }
0x1a: {  	s15 =	simm.s32 @!p1 $0x2  }
0x1b: {  	s13 =	smov.u32 s10;
	p0 =	por !p0, !p0;
	_ =	swait.ge @!p1 [sflag:s15], $0x2000  }
0x1c: {  	s12 =	smov.u32 s9;
	[sflag:s15] =	ssyncset.done @!p1 $0x0;
	s9 =	smov.u32 s14  }
0x1d: {  	s11 =	sadd.s32 $0x1, s11;
	[sflag:s15] =	ssyncadd.s32 @!p1 $0xFFFFE000;
	s10 =	smov.u32 s16  }
.LBB1_1:
0x1e: {  	p1 =	sge.u32 s11, s5  }
0x1f: {  	s14 =	sand.u32 @!p1 $0x1FFFFFF, s9  }
0x20: {  	s15 =	smulhi.u32 @!p1 $0x147AE15, s14;
	_ =	sdelay $0x1  }
0x21: {  	s15 =	smul.u32 @!p1 $0xC8, s15  }
0x22: {  	s16 =	sxor.u32 @!p1 $0xFFFFFFFF, s11;
	s17 =	smul.u32 @!p1 $0xC80, s10  }
0x23: {  	s31 =	sadd.s32 $0xFFFFFFFF, s11;
	s16 =	sshll.u32 @!p1 s16, $0xD;
	s14 =	ssub.s32 @!p1 s14, s15  }
0x24: {  	s15 =	sand.u32 @!p1 $0x2000, s16;
	s16 =	sadd.s32 @!p1 s6, s17;
	s14 =	sshll.u32 @!p1 s14, $0x4  }
0x25: {  	s17 =	simm.s32 @!p1 $0x6400;
	s14 =	sadd.s32 @!p1 s14, s16;
	s16 =	simm.s32 @!p1 $0x40  }
0x26: {  	[tilespmem:s15], [sflag:$0x1] =	stream.strided.gather @!p1 [hbm4b:s14+s16], $0x2000, s17, s16, $0x38;
	[tilespmem:$0x8080] =	vst v63  }
0x27: {  	p1 =	sge.u32 s31, s5  }
.Ltmp2:
0x28: {  	_ = 	snop;
	(pc) =	sbr.rel @p1 .LBB1_5-.Ltmp2, $1  }
0x29: {  	_ =	sdelay $0x3  }
0x2a: {  	s14 =	simm.s32 $0x1  }
0x2b: {  	_ =	swait.ge [sflag:s4], $0x2000;
	s14 =	simm.s32 @!p0 $0x0  }
0x2c: {  	[sflag:s4] =	ssyncset.done $0x0;
	s15 =	sshll.u32 s14, $0xD  }
0x2d: {  	[sflag:s4] =	ssyncadd.s32 $0xFFFFE000;
	s18 =	sor.u32 $0x20, s15  }
0x2e: {  	s14 =	smul.u32 $0x8100, s14;
	v3 =	vld [tilespmem:s18+$0x10]  }
0x2f: {  	s30 =	sand.u32 $0x1, s11;
	v2 =	vld [tilespmem:s18+$0xFFFFFFF0]  }
0x30: {  	s15 =	smul.u32 $0x8100, s30;
	s14 =	sshrl.u32 s14, $0x2;
	v0 =	vld [tilespmem:s18+$0x0]  }
0x31: {  	v1 =	vld [tilespmem:s18+$0xFFFFFFE0];
	s16 =	sor.u32 $0x4000, s14  }
0x32: {  	s31 =	sshrl.u32 s15, $0x2;
	s15 =	sadd.s32 $0x0, s16  }
0x33: {  	s17 =	simm.s32 $0x4;
	s18 =	sadd.s32 $0x40, s18;
	s14 =	sor.u32 $0x4000, s31;
	[tilespmem:s15+$0x1830 ss:$0x81] =	vst.msk $0xffff, v3  }
.LBB1_3:
0x34: {  	v3 =	vld [tilespmem:s18+$0x10];
	p1 =	sne.s32 s17, $0x1FC;
	[tilespmem:s15+$0x810 ss:$0x81] =	vst.msk $0xffff, v2;
	s19 =	smov.u32 s17;
	s17 =	sadd.s32 $0x4, s17  }
.Ltmp3:
0x35: {  	v2 =	vld [tilespmem:s18+$0xFFFFFFF0];
	[tilespmem:s15+$0x1020 ss:$0x81] =	vst.msk $0xffff, v0;
	(pc) =	sbr.rel @p1 .LBB1_3-.Ltmp3, $4  }
0x36: {  	v0 =	vld [tilespmem:s18+$0x0];
	[tilespmem:s15+$0x0 ss:$0x81] =	vst.msk $0xffff, v1  }
0x37: {  	s15 =	sshra.s32 s19, $0x2;
	v1 =	vld [tilespmem:s18+$0xFFFFFFE0]  }
0x38: {  	s15 =	sadd.s32 s15, s16  }
0x39: {  	s18 =	sadd.s32 $0x40, s18;
	[tilespmem:s15+$0x1830 ss:$0x81] =	vst.msk $0xffff, v3  }
.Ltmp4:
0x3a: {  	_ = 	snop;
	(pc) =	sbr.rel .LBB1_4-.Ltmp4, $1  }
0x3b: {  	_ =	sdelay $0x3  }
.LBB1_6:
0x3c: {  	_ =	sfence.sel $0x180000  }
0x3d: {  	s2 =	simm.s32 $0x1;
	[bflag:$0x0] =	sbarrier.arrive $0xFFFF  }
0x3e: {  	s31 =	simm.s32 $0x2;
	[sflag:s2] =	ssyncpa.u1 $0x1  }
0x3f: {  	[sflag:s31] =	ssyncpa.u1 $0x1  }
0x40: {  	p0 =	sne.s32 s0, $0x0;
	_ =	strace $0x9000004A  }
0x41: {  	s0 =	sadd.s32 @!p0 $0x100000, s1;
	[bflag:$0x2] =	sbarrier.arrive $0xFFFF  }
0x42: {  	[sflag:s0] =	ssyncadd.tile.s32 @!p0 $0x1;
	_ =	shalt  }
.Lfunc_end1:
_tile_overlayer_lowered:
.L_overlay_start_2:
0x43: {  	(tag) =	ssettag $0x2  }
0x44: {  	s0 =	rddreg [dreg:$0x0];
	s2 =	stileid.u32  }
0x45: {  	s1 =	rddreg [dreg:$0x1];
	p0 =	sne.s32 s2, $0x0  }
0x46: {  	s3 =	rddreg [dreg:$0x2];
	[bflag:$0x3] =	sbarrier.arrive $0xFFFF;
	s2 =	simm.s32 @!p0 $0x1C01  }
0x47: {  	[timem:s3], [sflag:s2] =	dma.local @!p0 [hbm:s0], s1  }
0x48: {  	s0 =	simm.s32 @!p0 $0x1  }
0x49: {  	_ =	swait.ge @!p0 [sflag:s0], s1  }
0x4a: {  	s1 =	ssub.s32 @!p0 $0x0, s1;
	[sflag:s0] =	ssyncset.done @!p0 $0x0  }
0x4b: {  	[sflag:s0] =	ssyncadd.s32 @!p0 s1  }
0x4c: {  	[bflag:$0x3] =	sbarrier.arrive $0xFFFF  }
0x4d: {  	_ =	shalt  }

</sc_bundles>
